<compile_context>
chip_gen: v7x
topology: tpu7x:2x2x1
jax: 0.10.2.dev20260603
libtpu: 0.0.44.dev20260713+nightly
codegen_flags: <defaults>
</compile_context>

<pallas_src>
import functools

import jax
import jax.numpy as jnp
from jax import lax
from jax.experimental import pallas as pl
from jax.experimental.pallas import tpu as pltpu
from jax.experimental.pallas import tpu_sc as plsc

N = 32768
LATENT = 32
DIM = 64
K_SYN = 512
K_SEM = 1024
CTX_STRENGTH = 3.0
COMMIT = 0.25

BN = 1024


def _tc_branch_body(zre, zim, cb, W1, b1, g, beta, W2, b2, W3, b3,
                    idx_ref, loss_ref):
    f32 = jnp.float32
    z = jnp.concatenate([zre[...], zim[...]], axis=1)
    h = lax.dot_general(z, W1[...], (((1,), (0,)), ((), ())),
                        preferred_element_type=f32) + b1[...]
    mu = jnp.mean(h, axis=-1, keepdims=True)
    var = jnp.mean((h - mu) ** 2, axis=-1, keepdims=True)
    h = (h - mu) / jnp.sqrt(var + 1e-5) * g[...] + beta[...]
    h = jnp.maximum(h, 0.0)
    h2 = jnp.maximum(
        lax.dot_general(h, W2[...], (((1,), (0,)), ((), ())),
                        preferred_element_type=f32) + b2[...], 0.0)
    ctx = lax.dot_general(h2, W3[...], (((1,), (0,)), ((), ())),
                          preferred_element_type=f32) + b3[...]
    zn = jnp.sum(z * z, axis=1, keepdims=True)
    cbv = cb[...]
    cbn = jnp.sum(cbv * cbv, axis=1)[None, :]
    xc = lax.dot_general(z, cbv, (((1,), (1,)), ((), ())),
                         preferred_element_type=f32)
    d_sq = zn + cbn - 2.0 * xc
    total = -d_sq + CTX_STRENGTH * ctx
    idx = jnp.argmax(total, axis=1)
    idx_ref[...] = idx
    iota = lax.broadcasted_iota(jnp.int32, total.shape, 1)
    loss_sum = jnp.sum(jnp.where(iota == idx[:, None], d_sq, 0.0))

    @pl.when(pl.program_id(0) == 0)
    def _init():
        loss_ref[0, 0] = 0.0

    loss_ref[0, 0] += loss_sum


def _tc_branch(zre, zim, cb, W1, b1, g, beta, W2, b2, W3, b3):
    grid = N // BN
    row = lambda v: v.reshape(1, -1)
    params = (cb, W1, row(b1), row(g), row(beta), W2, row(b2), W3, row(b3))
    zspec = pl.BlockSpec((BN, LATENT), lambda i: (i, 0))
    full = lambda a: pl.BlockSpec(a.shape, lambda i: tuple(0 for _ in a.shape))
    return pl.pallas_call(
        _tc_branch_body,
        grid=(grid,),
        in_specs=[zspec, zspec] + [full(p) for p in params],
        out_specs=(
            pl.BlockSpec((BN,), lambda i: (i,)),
            pl.BlockSpec(memory_space=pltpu.SMEM),
        ),
        out_shape=(
            jax.ShapeDtypeStruct((N,), jnp.int32),
            jax.ShapeDtypeStruct((1, 1), jnp.float32),
        ),
    )(zre, zim, *params)


_PD = 128
_CHUNK = 256


@functools.lru_cache(maxsize=1)
def _make_sc_gather():
    info = plsc.get_sparse_core_info()
    nc = info.num_cores
    nw = nc * info.num_subcores
    bpw = N // nw
    nchunks = bpw // _CHUNK

    def _body(cb_hbm, idx_hbm, out_hbm, idx_v, rows0, rows1, sem0, sem1):
        wid = lax.axis_index("s") * nc + lax.axis_index("c")
        base = wid * bpw
        pltpu.sync_copy(idx_hbm.at[pl.ds(base, bpw)], idx_v)
        bufs = (rows0, rows1)
        sems = (sem0, sem1)
        copies = [None, None]
        for c in range(nchunks):
            b = c % 2
            copies[b] = pltpu.async_copy(
                cb_hbm.at[idx_v.at[pl.ds(c * _CHUNK, _CHUNK)]], bufs[b],
                sems[b])
            if c >= 1:
                pb = (c - 1) % 2
                copies[pb].wait()
                pltpu.sync_copy(
                    bufs[pb],
                    out_hbm.at[pl.ds(base + (c - 1) * _CHUNK, _CHUNK)])
        last = (nchunks - 1) % 2
        copies[last].wait()
        pltpu.sync_copy(
            bufs[last],
            out_hbm.at[pl.ds(base + (nchunks - 1) * _CHUNK, _CHUNK)])

    return pl.kernel(
        _body,
        mesh=plsc.VectorSubcoreMesh(core_axis_name="c", subcore_axis_name="s"),
        out_type=jax.ShapeDtypeStruct((N, _PD), jnp.float32),
        scratch_types=[
            pltpu.VMEM((bpw,), jnp.int32),
            pltpu.VMEM((_CHUNK, _PD), jnp.float32),
            pltpu.VMEM((_CHUNK, _PD), jnp.float32),
            pltpu.SemaphoreType.DMA,
            pltpu.SemaphoreType.DMA,
        ],
    )


def kernel(z_fast_real, z_fast_imag, z_slow_real, z_slow_imag, cb_syn, cb_sem,
           syn_W1, syn_b1, syn_g, syn_beta, syn_W2, syn_b2, syn_W3, syn_b3,
           sem_W1, sem_b1, sem_g, sem_beta, sem_W2, sem_b2, sem_W3, sem_b3):
    pad = lambda cb: jnp.pad(cb, ((0, 0), (0, _PD - DIM)))
    gather = _make_sc_gather()

    idx_syn, loss_syn = _tc_branch(z_fast_real, z_fast_imag, cb_syn,
                                   syn_W1, syn_b1, syn_g, syn_beta,
                                   syn_W2, syn_b2, syn_W3, syn_b3)
    zq_syn = gather(pad(cb_syn), idx_syn)
    idx_sem, loss_sem = _tc_branch(z_slow_real, z_slow_imag, cb_sem,
                                   sem_W1, sem_b1, sem_g, sem_beta,
                                   sem_W2, sem_b2, sem_W3, sem_b3)
    zq_sem = gather(pad(cb_sem), idx_sem)

    loss = (loss_syn[0, 0] + loss_sem[0, 0]) * ((1.0 + COMMIT) / (N * DIM))
    to_c = lambda zq: lax.complex(zq[:, :LATENT], zq[:, LATENT:DIM])
    return (to_c(zq_syn), to_c(zq_sem), loss, idx_syn, idx_sem)

# --- scband reference (transcript-rebuilt; emitter-appended) ---
"""Pipeline reference for scband-enhanced-context-aware-dual-vq-24902220382616 (READ-ONLY COPY).

The authoritative reference and input builder live on the scoring server;
editing this copy changes nothing except your own understanding.
"""

import jax, jax.numpy as jnp
import numpy as np

N = 32768
LATENT = 32
DIM = 64
K_SYN = 512
K_SEM = 1024
CTX_STRENGTH = 3.0
COMMIT = 0.25


def _gate_params(key, dim, n_symbols, prefix):
    k = jax.random.split(key, 3)
    h = dim // 2
    return {
        prefix + '_W1': jax.random.normal(k[0], (dim, dim), jnp.float32) / np.sqrt(dim),
        prefix + '_b1': jnp.zeros((dim,), jnp.float32),
        prefix + '_g': jnp.ones((dim,), jnp.float32),
        prefix + '_beta': jnp.zeros((dim,), jnp.float32),
        prefix + '_W2': jax.random.normal(k[1], (dim, h), jnp.float32) / np.sqrt(dim),
        prefix + '_b2': jnp.zeros((h,), jnp.float32),
        prefix + '_W3': jax.random.normal(k[2], (h, n_symbols), jnp.float32) / np.sqrt(h),
        prefix + '_b3': jnp.zeros((n_symbols,), jnp.float32),
    }


def setup_inputs(seed: int = 0) -> dict:
    key = jax.random.key(seed)
    ks = jax.random.split(key, 8)
    inp = {
        'z_fast_real': jax.random.normal(ks[0], (N, LATENT), jnp.float32),
        'z_fast_imag': jax.random.normal(ks[1], (N, LATENT), jnp.float32),
        'z_slow_real': jax.random.normal(ks[2], (N, LATENT), jnp.float32),
        'z_slow_imag': jax.random.normal(ks[3], (N, LATENT), jnp.float32),
        'cb_syn': jax.random.normal(ks[4], (K_SYN, DIM), jnp.float32),
        'cb_sem': jax.random.normal(ks[5], (K_SEM, DIM), jnp.float32),
    }
    inp.update(_gate_params(ks[6], DIM, K_SYN, 'syn'))
    inp.update(_gate_params(ks[7], DIM, K_SEM, 'sem'))
    return inp


def _context_gate(z, W1, b1, g, beta, W2, b2, W3, b3):
    h = z @ W1 + b1
    mu = jnp.mean(h, axis=-1, keepdims=True)
    var = jnp.mean((h - mu) ** 2, axis=-1, keepdims=True)
    h = (h - mu) / jnp.sqrt(var + 1e-5) * g + beta
    h = jax.nn.relu(h)
    h = jax.nn.relu(h @ W2 + b2)
    return h @ W3 + b3


def _vq_step(z_re, z_im, codebook, W1, b1, g, beta, W2, b2, W3, b3):
    # z_flat = cat([z.real, z.imag], -1)
    z_flat = jnp.concatenate([z_re, z_im], axis=-1)
    d_sq = (jnp.sum(z_flat ** 2, axis=1, keepdims=True)
            + jnp.sum(codebook ** 2, axis=1)
            - 2.0 * (z_flat @ codebook.T))
    logits = -d_sq
    ctx_logits = _context_gate(z_flat, W1, b1, g, beta, W2, b2, W3, b3)
    # prev_idx is None -> graph_bias = 0 (eval mode, no adjacency update)
    total_logits = logits + CTX_STRENGTH * ctx_logits
    idx = jnp.argmax(total_logits, axis=1)
    z_q = jnp.take(codebook, idx, axis=0)
    loss = (jnp.mean((jax.lax.stop_gradient(z_q) - z_flat) ** 2)
            + COMMIT * jnp.mean((z_q - jax.lax.stop_gradient(z_flat)) ** 2))
    z_q_st = z_flat + jax.lax.stop_gradient(z_q - z_flat)
    return z_q_st, loss, idx


def reference(z_fast_real, z_fast_imag, z_slow_real, z_slow_imag, cb_syn, cb_sem,
              syn_W1, syn_b1, syn_g, syn_beta, syn_W2, syn_b2, syn_W3, syn_b3,
              sem_W1, sem_b1, sem_g, sem_beta, sem_W2, sem_b2, sem_W3, sem_b3):
    inp = {
        'z_fast_real': z_fast_real, 'z_fast_imag': z_fast_imag,
        'z_slow_real': z_slow_real, 'z_slow_imag': z_slow_imag,
        'cb_syn': cb_syn, 'cb_sem': cb_sem,
        'syn_W1': syn_W1, 'syn_b1': syn_b1, 'syn_g': syn_g, 'syn_beta': syn_beta,
        'syn_W2': syn_W2, 'syn_b2': syn_b2, 'syn_W3': syn_W3, 'syn_b3': syn_b3,
        'sem_W1': sem_W1, 'sem_b1': sem_b1, 'sem_g': sem_g, 'sem_beta': sem_beta,
        'sem_W2': sem_W2, 'sem_b2': sem_b2, 'sem_W3': sem_W3, 'sem_b3': sem_b3,
    }
    def gp(p):
        return [inp[p + '_' + k] for k in ('W1', 'b1', 'g', 'beta', 'W2', 'b2', 'W3', 'b3')]
    zq_syn, loss_syn, idx_syn = _vq_step(inp['z_fast_real'], inp['z_fast_imag'], inp['cb_syn'], *gp('syn'))
    zq_sem, loss_sem, idx_sem = _vq_step(inp['z_slow_real'], inp['z_slow_imag'], inp['cb_sem'], *gp('sem'))
    zq_syn_c = jax.lax.complex(zq_syn[:, :LATENT], zq_syn[:, LATENT:])
    zq_sem_c = jax.lax.complex(zq_sem[:, :LATENT], zq_sem[:, LATENT:])
    return (zq_syn_c, zq_sem_c, loss_syn + loss_sem, idx_syn, idx_sem)

if __name__ == "__main__":
    import jax
    _d = setup_inputs()
    print(jax.jit(kernel)(*tuple(_d.values())))

</pallas_src>

<mosaic_0001>
#map = affine_map<(d0, d1) -> (0, 0)>
#map1 = affine_map<(d0, d1) -> (0)>
module attributes {stable_mosaic.version = 14 : i64} {
  func.func @_body(%arg0: i32, %arg1: i32, %arg2: memref<1024x128xf32, #tpu.memory_space<hbm>>, %arg3: memref<32768xi32, #tpu.memory_space<hbm>>, %arg4: memref<32768x128xf32, #tpu.memory_space<hbm>>, %arg5: memref<1024xi32, #tpu.memory_space<vmem>>, %arg6: memref<256x128xf32, #tpu.memory_space<vmem>>, %arg7: memref<256x128xf32, #tpu.memory_space<vmem>>, %arg8: memref<!tpu.dma_semaphore, #tpu.memory_space<semaphore_mem>>, %arg9: memref<!tpu.dma_semaphore, #tpu.memory_space<semaphore_mem>>) attributes {dimension_semantics = [#tpu.dimension_semantics<core_parallel>, #tpu.dimension_semantics<subcore_parallel>], iteration_bounds = array<i64: 2, 16>, scalar_prefetch = 0 : i64, scratch_operands = 5 : i64, tpu.core_type = #tpu.core_type<sc_vector_subcore>, window_params = [{transform_indices = #map}, {transform_indices = #map1}, {transform_indices = #map}]} {
    %mul3A = arith.constant 2 : i32
    %mul3A_0 = arith.muli %arg1, %mul3A : i32
    %add3A = arith.addi %mul3A_0, %arg0 : i32
    %mul3A_1 = arith.constant 1024 : i32
    %mul3A_2 = arith.muli %add3A, %mul3A_1 : i32
    "tpu.region"() ({
      %run_scoped3A = tpu.sem_alloc : memref<!tpu.dma_semaphore, #tpu.memory_space<semaphore_mem>>
      %dma_start3A_49 = tpu.memref_slice %arg3[%mul3A_2] : memref<32768xi32, #tpu.memory_space<hbm>> -> memref<1024xi32, #tpu.memory_space<hbm>>
      %dma_start3A_50 = tpu.memref_slice %arg3[%mul3A_2] : memref<32768xi32, #tpu.memory_space<hbm>> -> memref<1024xi32, #tpu.memory_space<hbm>>
      tpu.enqueue_dma source(%dma_start3A_50 : memref<1024xi32, #tpu.memory_space<hbm>>) target(%arg5 : memref<1024xi32, #tpu.memory_space<vmem>>) target_semaphore(%run_scoped3A : memref<!tpu.dma_semaphore, #tpu.memory_space<semaphore_mem>>)
      %dma_wait3A_51 = tpu.memref_slice %arg3[%mul3A_2] : memref<32768xi32, #tpu.memory_space<hbm>> -> memref<1024xi32, #tpu.memory_space<hbm>>
      %dma_wait3A_52 = tpu.memref_slice %arg3[%mul3A_2] : memref<32768xi32, #tpu.memory_space<hbm>> -> memref<1024xi32, #tpu.memory_space<hbm>>
      tpu.wait_dma2 semaphore(%run_scoped3A : memref<!tpu.dma_semaphore, #tpu.memory_space<semaphore_mem>>) src(%dma_wait3A_52 : memref<1024xi32, #tpu.memory_space<hbm>>) dst(%arg5 : memref<1024xi32, #tpu.memory_space<vmem>>)
      tpu.yield
    }) : () -> ()
    %dma_start3A = arith.constant 0 : i32
    %dma_start3A_3 = tpu.memref_slice %arg5[%dma_start3A] : memref<1024xi32, #tpu.memory_space<vmem>> -> memref<256xi32, #tpu.memory_space<vmem>>
    %dma_start3A_4 = arith.constant 0 : i32
    %dma_start3A_5 = arith.constant 0 : i32
    %dma_start3A_6 = tpu.memref_slice %arg2[%dma_start3A_4, %dma_start3A_5] : memref<1024x128xf32, #tpu.memory_space<hbm>> -> memref<1024x128xf32, #tpu.memory_space<hbm>>
    tpu.enqueue_indirect_dma source(%dma_start3A_6 : memref<1024x128xf32, #tpu.memory_space<hbm>>) target(%arg6 : memref<256x128xf32, #tpu.memory_space<vmem>>) offsets(%dma_start3A_3 : memref<256xi32, #tpu.memory_space<vmem>>) semaphore(%arg8 : memref<!tpu.dma_semaphore, #tpu.memory_space<semaphore_mem>>)
    %dma_start3A_7 = arith.constant 256 : i32
    %dma_start3A_8 = tpu.memref_slice %arg5[%dma_start3A_7] : memref<1024xi32, #tpu.memory_space<vmem>> -> memref<256xi32, #tpu.memory_space<vmem>>
    %dma_start3A_9 = arith.constant 0 : i32
    %dma_start3A_10 = arith.constant 0 : i32
    %dma_start3A_11 = tpu.memref_slice %arg2[%dma_start3A_9, %dma_start3A_10] : memref<1024x128xf32, #tpu.memory_space<hbm>> -> memref<1024x128xf32, #tpu.memory_space<hbm>>
    tpu.enqueue_indirect_dma source(%dma_start3A_11 : memref<1024x128xf32, #tpu.memory_space<hbm>>) target(%arg7 : memref<256x128xf32, #tpu.memory_space<vmem>>) offsets(%dma_start3A_8 : memref<256xi32, #tpu.memory_space<vmem>>) semaphore(%arg9 : memref<!tpu.dma_semaphore, #tpu.memory_space<semaphore_mem>>)
    %dma_wait3A = arith.constant 0 : i32
    %dma_wait3A_12 = tpu.memref_slice %arg5[%dma_wait3A] : memref<1024xi32, #tpu.memory_space<vmem>> -> memref<256xi32, #tpu.memory_space<vmem>>
    %dma_wait3A_13 = arith.constant 0 : i32
    %dma_wait3A_14 = arith.constant 0 : i32
    %dma_wait3A_15 = tpu.memref_slice %arg2[%dma_wait3A_13, %dma_wait3A_14] : memref<1024x128xf32, #tpu.memory_space<hbm>> -> memref<1024x128xf32, #tpu.memory_space<hbm>>
    tpu.wait_indirect_dma semaphore(%arg8 : memref<!tpu.dma_semaphore, #tpu.memory_space<semaphore_mem>>) src(%dma_wait3A_15 : memref<1024x128xf32, #tpu.memory_space<hbm>>) dst(%arg6 : memref<256x128xf32, #tpu.memory_space<vmem>>)
    %add3A_16 = arith.constant 0 : i32
    %add3A_17 = arith.addi %mul3A_2, %add3A_16 : i32
    "tpu.region"() ({
      %run_scoped3A = tpu.sem_alloc : memref<!tpu.dma_semaphore, #tpu.memory_space<semaphore_mem>>
      %dma_start3A_49 = arith.constant 0 : i32
      %dma_start3A_50 = tpu.memref_slice %arg4[%add3A_17, %dma_start3A_49] : memref<32768x128xf32, #tpu.memory_space<hbm>> -> memref<256x128xf32, #tpu.memory_space<hbm>>
      %dma_start3A_51 = arith.constant 0 : i32
      %dma_start3A_52 = tpu.memref_slice %arg4[%add3A_17, %dma_start3A_51] : memref<32768x128xf32, #tpu.memory_space<hbm>> -> memref<256x128xf32, #tpu.memory_space<hbm>>
      tpu.enqueue_dma source(%arg6 : memref<256x128xf32, #tpu.memory_space<vmem>>) target(%dma_start3A_52 : memref<256x128xf32, #tpu.memory_space<hbm>>) target_semaphore(%run_scoped3A : memref<!tpu.dma_semaphore, #tpu.memory_space<semaphore_mem>>)
      %dma_wait3A_53 = arith.constant 0 : i32
      %dma_wait3A_54 = tpu.memref_slice %arg4[%add3A_17, %dma_wait3A_53] : memref<32768x128xf32, #tpu.memory_space<hbm>> -> memref<256x128xf32, #tpu.memory_space<hbm>>
      %dma_wait3A_55 = arith.constant 0 : i32
      %dma_wait3A_56 = tpu.memref_slice %arg4[%add3A_17, %dma_wait3A_55] : memref<32768x128xf32, #tpu.memory_space<hbm>> -> memref<256x128xf32, #tpu.memory_space<hbm>>
      tpu.wait_dma2 semaphore(%run_scoped3A : memref<!tpu.dma_semaphore, #tpu.memory_space<semaphore_mem>>) src(%arg6 : memref<256x128xf32, #tpu.memory_space<vmem>>) dst(%dma_wait3A_56 : memref<256x128xf32, #tpu.memory_space<hbm>>)
      tpu.yield
    }) : () -> ()
    %dma_start3A_18 = arith.constant 512 : i32
    %dma_start3A_19 = tpu.memref_slice %arg5[%dma_start3A_18] : memref<1024xi32, #tpu.memory_space<vmem>> -> memref<256xi32, #tpu.memory_space<vmem>>
    %dma_start3A_20 = arith.constant 0 : i32
    %dma_start3A_21 = arith.constant 0 : i32
    %dma_start3A_22 = tpu.memref_slice %arg2[%dma_start3A_20, %dma_start3A_21] : memref<1024x128xf32, #tpu.memory_space<hbm>> -> memref<1024x128xf32, #tpu.memory_space<hbm>>
    tpu.enqueue_indirect_dma source(%dma_start3A_22 : memref<1024x128xf32, #tpu.memory_space<hbm>>) target(%arg6 : memref<256x128xf32, #tpu.memory_space<vmem>>) offsets(%dma_start3A_19 : memref<256xi32, #tpu.memory_space<vmem>>) semaphore(%arg8 : memref<!tpu.dma_semaphore, #tpu.memory_space<semaphore_mem>>)
    %dma_wait3A_23 = arith.constant 256 : i32
    %dma_wait3A_24 = tpu.memref_slice %arg5[%dma_wait3A_23] : memref<1024xi32, #tpu.memory_space<vmem>> -> memref<256xi32, #tpu.memory_space<vmem>>
    %dma_wait3A_25 = arith.constant 0 : i32
    %dma_wait3A_26 = arith.constant 0 : i32
    %dma_wait3A_27 = tpu.memref_slice %arg2[%dma_wait3A_25, %dma_wait3A_26] : memref<1024x128xf32, #tpu.memory_space<hbm>> -> memref<1024x128xf32, #tpu.memory_space<hbm>>
    tpu.wait_indirect_dma semaphore(%arg9 : memref<!tpu.dma_semaphore, #tpu.memory_space<semaphore_mem>>) src(%dma_wait3A_27 : memref<1024x128xf32, #tpu.memory_space<hbm>>) dst(%arg7 : memref<256x128xf32, #tpu.memory_space<vmem>>)
    %add3A_28 = arith.constant 256 : i32
    %add3A_29 = arith.addi %mul3A_2, %add3A_28 : i32
    "tpu.region"() ({
      %run_scoped3A = tpu.sem_alloc : memref<!tpu.dma_semaphore, #tpu.memory_space<semaphore_mem>>
      %dma_start3A_49 = arith.constant 0 : i32
      %dma_start3A_50 = tpu.memref_slice %arg4[%add3A_29, %dma_start3A_49] : memref<32768x128xf32, #tpu.memory_space<hbm>> -> memref<256x128xf32, #tpu.memory_space<hbm>>
      %dma_start3A_51 = arith.constant 0 : i32
      %dma_start3A_52 = tpu.memref_slice %arg4[%add3A_29, %dma_start3A_51] : memref<32768x128xf32, #tpu.memory_space<hbm>> -> memref<256x128xf32, #tpu.memory_space<hbm>>
      tpu.enqueue_dma source(%arg7 : memref<256x128xf32, #tpu.memory_space<vmem>>) target(%dma_start3A_52 : memref<256x128xf32, #tpu.memory_space<hbm>>) target_semaphore(%run_scoped3A : memref<!tpu.dma_semaphore, #tpu.memory_space<semaphore_mem>>)
      %dma_wait3A_53 = arith.constant 0 : i32
      %dma_wait3A_54 = tpu.memref_slice %arg4[%add3A_29, %dma_wait3A_53] : memref<32768x128xf32, #tpu.memory_space<hbm>> -> memref<256x128xf32, #tpu.memory_space<hbm>>
      %dma_wait3A_55 = arith.constant 0 : i32
      %dma_wait3A_56 = tpu.memref_slice %arg4[%add3A_29, %dma_wait3A_55] : memref<32768x128xf32, #tpu.memory_space<hbm>> -> memref<256x128xf32, #tpu.memory_space<hbm>>
      tpu.wait_dma2 semaphore(%run_scoped3A : memref<!tpu.dma_semaphore, #tpu.memory_space<semaphore_mem>>) src(%arg7 : memref<256x128xf32, #tpu.memory_space<vmem>>) dst(%dma_wait3A_56 : memref<256x128xf32, #tpu.memory_space<hbm>>)
      tpu.yield
    }) : () -> ()
    %dma_start3A_30 = arith.constant 768 : i32
    %dma_start3A_31 = tpu.memref_slice %arg5[%dma_start3A_30] : memref<1024xi32, #tpu.memory_space<vmem>> -> memref<256xi32, #tpu.memory_space<vmem>>
    %dma_start3A_32 = arith.constant 0 : i32
    %dma_start3A_33 = arith.constant 0 : i32
    %dma_start3A_34 = tpu.memref_slice %arg2[%dma_start3A_32, %dma_start3A_33] : memref<1024x128xf32, #tpu.memory_space<hbm>> -> memref<1024x128xf32, #tpu.memory_space<hbm>>
    tpu.enqueue_indirect_dma source(%dma_start3A_34 : memref<1024x128xf32, #tpu.memory_space<hbm>>) target(%arg7 : memref<256x128xf32, #tpu.memory_space<vmem>>) offsets(%dma_start3A_31 : memref<256xi32, #tpu.memory_space<vmem>>) semaphore(%arg9 : memref<!tpu.dma_semaphore, #tpu.memory_space<semaphore_mem>>)
    %dma_wait3A_35 = arith.constant 512 : i32
    %dma_wait3A_36 = tpu.memref_slice %arg5[%dma_wait3A_35] : memref<1024xi32, #tpu.memory_space<vmem>> -> memref<256xi32, #tpu.memory_space<vmem>>
    %dma_wait3A_37 = arith.constant 0 : i32
    %dma_wait3A_38 = arith.constant 0 : i32
    %dma_wait3A_39 = tpu.memref_slice %arg2[%dma_wait3A_37, %dma_wait3A_38] : memref<1024x128xf32, #tpu.memory_space<hbm>> -> memref<1024x128xf32, #tpu.memory_space<hbm>>
    tpu.wait_indirect_dma semaphore(%arg8 : memref<!tpu.dma_semaphore, #tpu.memory_space<semaphore_mem>>) src(%dma_wait3A_39 : memref<1024x128xf32, #tpu.memory_space<hbm>>) dst(%arg6 : memref<256x128xf32, #tpu.memory_space<vmem>>)
    %add3A_40 = arith.constant 512 : i32
    %add3A_41 = arith.addi %mul3A_2, %add3A_40 : i32
    "tpu.region"() ({
      %run_scoped3A = tpu.sem_alloc : memref<!tpu.dma_semaphore, #tpu.memory_space<semaphore_mem>>
      %dma_start3A_49 = arith.constant 0 : i32
      %dma_start3A_50 = tpu.memref_slice %arg4[%add3A_41, %dma_start3A_49] : memref<32768x128xf32, #tpu.memory_space<hbm>> -> memref<256x128xf32, #tpu.memory_space<hbm>>
      %dma_start3A_51 = arith.constant 0 : i32
      %dma_start3A_52 = tpu.memref_slice %arg4[%add3A_41, %dma_start3A_51] : memref<32768x128xf32, #tpu.memory_space<hbm>> -> memref<256x128xf32, #tpu.memory_space<hbm>>
      tpu.enqueue_dma source(%arg6 : memref<256x128xf32, #tpu.memory_space<vmem>>) target(%dma_start3A_52 : memref<256x128xf32, #tpu.memory_space<hbm>>) target_semaphore(%run_scoped3A : memref<!tpu.dma_semaphore, #tpu.memory_space<semaphore_mem>>)
      %dma_wait3A_53 = arith.constant 0 : i32
      %dma_wait3A_54 = tpu.memref_slice %arg4[%add3A_41, %dma_wait3A_53] : memref<32768x128xf32, #tpu.memory_space<hbm>> -> memref<256x128xf32, #tpu.memory_space<hbm>>
      %dma_wait3A_55 = arith.constant 0 : i32
      %dma_wait3A_56 = tpu.memref_slice %arg4[%add3A_41, %dma_wait3A_55] : memref<32768x128xf32, #tpu.memory_space<hbm>> -> memref<256x128xf32, #tpu.memory_space<hbm>>
      tpu.wait_dma2 semaphore(%run_scoped3A : memref<!tpu.dma_semaphore, #tpu.memory_space<semaphore_mem>>) src(%arg6 : memref<256x128xf32, #tpu.memory_space<vmem>>) dst(%dma_wait3A_56 : memref<256x128xf32, #tpu.memory_space<hbm>>)
      tpu.yield
    }) : () -> ()
    %dma_wait3A_42 = arith.constant 768 : i32
    %dma_wait3A_43 = tpu.memref_slice %arg5[%dma_wait3A_42] : memref<1024xi32, #tpu.memory_space<vmem>> -> memref<256xi32, #tpu.memory_space<vmem>>
    %dma_wait3A_44 = arith.constant 0 : i32
    %dma_wait3A_45 = arith.constant 0 : i32
    %dma_wait3A_46 = tpu.memref_slice %arg2[%dma_wait3A_44, %dma_wait3A_45] : memref<1024x128xf32, #tpu.memory_space<hbm>> -> memref<1024x128xf32, #tpu.memory_space<hbm>>
    tpu.wait_indirect_dma semaphore(%arg9 : memref<!tpu.dma_semaphore, #tpu.memory_space<semaphore_mem>>) src(%dma_wait3A_46 : memref<1024x128xf32, #tpu.memory_space<hbm>>) dst(%arg7 : memref<256x128xf32, #tpu.memory_space<vmem>>)
    %add3A_47 = arith.constant 768 : i32
    %add3A_48 = arith.addi %mul3A_2, %add3A_47 : i32
    "tpu.region"() ({
      %run_scoped3A = tpu.sem_alloc : memref<!tpu.dma_semaphore, #tpu.memory_space<semaphore_mem>>
      %dma_start3A_49 = arith.constant 0 : i32
      %dma_start3A_50 = tpu.memref_slice %arg4[%add3A_48, %dma_start3A_49] : memref<32768x128xf32, #tpu.memory_space<hbm>> -> memref<256x128xf32, #tpu.memory_space<hbm>>
      %dma_start3A_51 = arith.constant 0 : i32
      %dma_start3A_52 = tpu.memref_slice %arg4[%add3A_48, %dma_start3A_51] : memref<32768x128xf32, #tpu.memory_space<hbm>> -> memref<256x128xf32, #tpu.memory_space<hbm>>
      tpu.enqueue_dma source(%arg7 : memref<256x128xf32, #tpu.memory_space<vmem>>) target(%dma_start3A_52 : memref<256x128xf32, #tpu.memory_space<hbm>>) target_semaphore(%run_scoped3A : memref<!tpu.dma_semaphore, #tpu.memory_space<semaphore_mem>>)
      %dma_wait3A_53 = arith.constant 0 : i32
      %dma_wait3A_54 = tpu.memref_slice %arg4[%add3A_48, %dma_wait3A_53] : memref<32768x128xf32, #tpu.memory_space<hbm>> -> memref<256x128xf32, #tpu.memory_space<hbm>>
      %dma_wait3A_55 = arith.constant 0 : i32
      %dma_wait3A_56 = tpu.memref_slice %arg4[%add3A_48, %dma_wait3A_55] : memref<32768x128xf32, #tpu.memory_space<hbm>> -> memref<256x128xf32, #tpu.memory_space<hbm>>
      tpu.wait_dma2 semaphore(%run_scoped3A : memref<!tpu.dma_semaphore, #tpu.memory_space<semaphore_mem>>) src(%arg7 : memref<256x128xf32, #tpu.memory_space<vmem>>) dst(%dma_wait3A_56 : memref<256x128xf32, #tpu.memory_space<hbm>>)
      tpu.yield
    }) : () -> ()
    return
  }
}

#map = affine_map<(d0, d1) -> (0, 0)>
#map1 = affine_map<(d0, d1) -> (0)>
module attributes {stable_mosaic.version = 14 : i64} {
  func.func @_body(%arg0: i32, %arg1: i32, %arg2: memref<512x128xf32, #tpu.memory_space<hbm>>, %arg3: memref<32768xi32, #tpu.memory_space<hbm>>, %arg4: memref<32768x128xf32, #tpu.memory_space<hbm>>, %arg5: memref<1024xi32, #tpu.memory_space<vmem>>, %arg6: memref<256x128xf32, #tpu.memory_space<vmem>>, %arg7: memref<256x128xf32, #tpu.memory_space<vmem>>, %arg8: memref<!tpu.dma_semaphore, #tpu.memory_space<semaphore_mem>>, %arg9: memref<!tpu.dma_semaphore, #tpu.memory_space<semaphore_mem>>) attributes {dimension_semantics = [#tpu.dimension_semantics<core_parallel>, #tpu.dimension_semantics<subcore_parallel>], iteration_bounds = array<i64: 2, 16>, scalar_prefetch = 0 : i64, scratch_operands = 5 : i64, tpu.core_type = #tpu.core_type<sc_vector_subcore>, window_params = [{transform_indices = #map}, {transform_indices = #map1}, {transform_indices = #map}]} {
    %mul3A = arith.constant 2 : i32
    %mul3A_0 = arith.muli %arg1, %mul3A : i32
    %add3A = arith.addi %mul3A_0, %arg0 : i32
    %mul3A_1 = arith.constant 1024 : i32
    %mul3A_2 = arith.muli %add3A, %mul3A_1 : i32
    "tpu.region"() ({
      %run_scoped3A = tpu.sem_alloc : memref<!tpu.dma_semaphore, #tpu.memory_space<semaphore_mem>>
      %dma_start3A_49 = tpu.memref_slice %arg3[%mul3A_2] : memref<32768xi32, #tpu.memory_space<hbm>> -> memref<1024xi32, #tpu.memory_space<hbm>>
      %dma_start3A_50 = tpu.memref_slice %arg3[%mul3A_2] : memref<32768xi32, #tpu.memory_space<hbm>> -> memref<1024xi32, #tpu.memory_space<hbm>>
      tpu.enqueue_dma source(%dma_start3A_50 : memref<1024xi32, #tpu.memory_space<hbm>>) target(%arg5 : memref<1024xi32, #tpu.memory_space<vmem>>) target_semaphore(%run_scoped3A : memref<!tpu.dma_semaphore, #tpu.memory_space<semaphore_mem>>)
      %dma_wait3A_51 = tpu.memref_slice %arg3[%mul3A_2] : memref<32768xi32, #tpu.memory_space<hbm>> -> memref<1024xi32, #tpu.memory_space<hbm>>
      %dma_wait3A_52 = tpu.memref_slice %arg3[%mul3A_2] : memref<32768xi32, #tpu.memory_space<hbm>> -> memref<1024xi32, #tpu.memory_space<hbm>>
      tpu.wait_dma2 semaphore(%run_scoped3A : memref<!tpu.dma_semaphore, #tpu.memory_space<semaphore_mem>>) src(%dma_wait3A_52 : memref<1024xi32, #tpu.memory_space<hbm>>) dst(%arg5 : memref<1024xi32, #tpu.memory_space<vmem>>)
      tpu.yield
    }) : () -> ()
    %dma_start3A = arith.constant 0 : i32
    %dma_start3A_3 = tpu.memref_slice %arg5[%dma_start3A] : memref<1024xi32, #tpu.memory_space<vmem>> -> memref<256xi32, #tpu.memory_space<vmem>>
    %dma_start3A_4 = arith.constant 0 : i32
    %dma_start3A_5 = arith.constant 0 : i32
    %dma_start3A_6 = tpu.memref_slice %arg2[%dma_start3A_4, %dma_start3A_5] : memref<512x128xf32, #tpu.memory_space<hbm>> -> memref<512x128xf32, #tpu.memory_space<hbm>>
    tpu.enqueue_indirect_dma source(%dma_start3A_6 : memref<512x128xf32, #tpu.memory_space<hbm>>) target(%arg6 : memref<256x128xf32, #tpu.memory_space<vmem>>) offsets(%dma_start3A_3 : memref<256xi32, #tpu.memory_space<vmem>>) semaphore(%arg8 : memref<!tpu.dma_semaphore, #tpu.memory_space<semaphore_mem>>)
    %dma_start3A_7 = arith.constant 256 : i32
    %dma_start3A_8 = tpu.memref_slice %arg5[%dma_start3A_7] : memref<1024xi32, #tpu.memory_space<vmem>> -> memref<256xi32, #tpu.memory_space<vmem>>
    %dma_start3A_9 = arith.constant 0 : i32
    %dma_start3A_10 = arith.constant 0 : i32
    %dma_start3A_11 = tpu.memref_slice %arg2[%dma_start3A_9, %dma_start3A_10] : memref<512x128xf32, #tpu.memory_space<hbm>> -> memref<512x128xf32, #tpu.memory_space<hbm>>
    tpu.enqueue_indirect_dma source(%dma_start3A_11 : memref<512x128xf32, #tpu.memory_space<hbm>>) target(%arg7 : memref<256x128xf32, #tpu.memory_space<vmem>>) offsets(%dma_start3A_8 : memref<256xi32, #tpu.memory_space<vmem>>) semaphore(%arg9 : memref<!tpu.dma_semaphore, #tpu.memory_space<semaphore_mem>>)
    %dma_wait3A = arith.constant 0 : i32
    %dma_wait3A_12 = tpu.memref_slice %arg5[%dma_wait3A] : memref<1024xi32, #tpu.memory_space<vmem>> -> memref<256xi32, #tpu.memory_space<vmem>>
    %dma_wait3A_13 = arith.constant 0 : i32
    %dma_wait3A_14 = arith.constant 0 : i32
    %dma_wait3A_15 = tpu.memref_slice %arg2[%dma_wait3A_13, %dma_wait3A_14] : memref<512x128xf32, #tpu.memory_space<hbm>> -> memref<512x128xf32, #tpu.memory_space<hbm>>
    tpu.wait_indirect_dma semaphore(%arg8 : memref<!tpu.dma_semaphore, #tpu.memory_space<semaphore_mem>>) src(%dma_wait3A_15 : memref<512x128xf32, #tpu.memory_space<hbm>>) dst(%arg6 : memref<256x128xf32, #tpu.memory_space<vmem>>)
    %add3A_16 = arith.constant 0 : i32
    %add3A_17 = arith.addi %mul3A_2, %add3A_16 : i32
    "tpu.region"() ({
      %run_scoped3A = tpu.sem_alloc : memref<!tpu.dma_semaphore, #tpu.memory_space<semaphore_mem>>
      %dma_start3A_49 = arith.constant 0 : i32
      %dma_start3A_50 = tpu.memref_slice %arg4[%add3A_17, %dma_start3A_49] : memref<32768x128xf32, #tpu.memory_space<hbm>> -> memref<256x128xf32, #tpu.memory_space<hbm>>
      %dma_start3A_51 = arith.constant 0 : i32
      %dma_start3A_52 = tpu.memref_slice %arg4[%add3A_17, %dma_start3A_51] : memref<32768x128xf32, #tpu.memory_space<hbm>> -> memref<256x128xf32, #tpu.memory_space<hbm>>
      tpu.enqueue_dma source(%arg6 : memref<256x128xf32, #tpu.memory_space<vmem>>) target(%dma_start3A_52 : memref<256x128xf32, #tpu.memory_space<hbm>>) target_semaphore(%run_scoped3A : memref<!tpu.dma_semaphore, #tpu.memory_space<semaphore_mem>>)
      %dma_wait3A_53 = arith.constant 0 : i32
      %dma_wait3A_54 = tpu.memref_slice %arg4[%add3A_17, %dma_wait3A_53] : memref<32768x128xf32, #tpu.memory_space<hbm>> -> memref<256x128xf32, #tpu.memory_space<hbm>>
      %dma_wait3A_55 = arith.constant 0 : i32
      %dma_wait3A_56 = tpu.memref_slice %arg4[%add3A_17, %dma_wait3A_55] : memref<32768x128xf32, #tpu.memory_space<hbm>> -> memref<256x128xf32, #tpu.memory_space<hbm>>
      tpu.wait_dma2 semaphore(%run_scoped3A : memref<!tpu.dma_semaphore, #tpu.memory_space<semaphore_mem>>) src(%arg6 : memref<256x128xf32, #tpu.memory_space<vmem>>) dst(%dma_wait3A_56 : memref<256x128xf32, #tpu.memory_space<hbm>>)
      tpu.yield
    }) : () -> ()
    %dma_start3A_18 = arith.constant 512 : i32
    %dma_start3A_19 = tpu.memref_slice %arg5[%dma_start3A_18] : memref<1024xi32, #tpu.memory_space<vmem>> -> memref<256xi32, #tpu.memory_space<vmem>>
    %dma_start3A_20 = arith.constant 0 : i32
    %dma_start3A_21 = arith.constant 0 : i32
    %dma_start3A_22 = tpu.memref_slice %arg2[%dma_start3A_20, %dma_start3A_21] : memref<512x128xf32, #tpu.memory_space<hbm>> -> memref<512x128xf32, #tpu.memory_space<hbm>>
    tpu.enqueue_indirect_dma source(%dma_start3A_22 : memref<512x128xf32, #tpu.memory_space<hbm>>) target(%arg6 : memref<256x128xf32, #tpu.memory_space<vmem>>) offsets(%dma_start3A_19 : memref<256xi32, #tpu.memory_space<vmem>>) semaphore(%arg8 : memref<!tpu.dma_semaphore, #tpu.memory_space<semaphore_mem>>)
    %dma_wait3A_23 = arith.constant 256 : i32
    %dma_wait3A_24 = tpu.memref_slice %arg5[%dma_wait3A_23] : memref<1024xi32, #tpu.memory_space<vmem>> -> memref<256xi32, #tpu.memory_space<vmem>>
    %dma_wait3A_25 = arith.constant 0 : i32
    %dma_wait3A_26 = arith.constant 0 : i32
    %dma_wait3A_27 = tpu.memref_slice %arg2[%dma_wait3A_25, %dma_wait3A_26] : memref<512x128xf32, #tpu.memory_space<hbm>> -> memref<512x128xf32, #tpu.memory_space<hbm>>
    tpu.wait_indirect_dma semaphore(%arg9 : memref<!tpu.dma_semaphore, #tpu.memory_space<semaphore_mem>>) src(%dma_wait3A_27 : memref<512x128xf32, #tpu.memory_space<hbm>>) dst(%arg7 : memref<256x128xf32, #tpu.memory_space<vmem>>)
    %add3A_28 = arith.constant 256 : i32
    %add3A_29 = arith.addi %mul3A_2, %add3A_28 : i32
    "tpu.region"() ({
      %run_scoped3A = tpu.sem_alloc : memref<!tpu.dma_semaphore, #tpu.memory_space<semaphore_mem>>
      %dma_start3A_49 = arith.constant 0 : i32
      %dma_start3A_50 = tpu.memref_slice %arg4[%add3A_29, %dma_start3A_49] : memref<32768x128xf32, #tpu.memory_space<hbm>> -> memref<256x128xf32, #tpu.memory_space<hbm>>
      %dma_start3A_51 = arith.constant 0 : i32
      %dma_start3A_52 = tpu.memref_slice %arg4[%add3A_29, %dma_start3A_51] : memref<32768x128xf32, #tpu.memory_space<hbm>> -> memref<256x128xf32, #tpu.memory_space<hbm>>
      tpu.enqueue_dma source(%arg7 : memref<256x128xf32, #tpu.memory_space<vmem>>) target(%dma_start3A_52 : memref<256x128xf32, #tpu.memory_space<hbm>>) target_semaphore(%run_scoped3A : memref<!tpu.dma_semaphore, #tpu.memory_space<semaphore_mem>>)
      %dma_wait3A_53 = arith.constant 0 : i32
      %dma_wait3A_54 = tpu.memref_slice %arg4[%add3A_29, %dma_wait3A_53] : memref<32768x128xf32, #tpu.memory_space<hbm>> -> memref<256x128xf32, #tpu.memory_space<hbm>>
      %dma_wait3A_55 = arith.constant 0 : i32
      %dma_wait3A_56 = tpu.memref_slice %arg4[%add3A_29, %dma_wait3A_55] : memref<32768x128xf32, #tpu.memory_space<hbm>> -> memref<256x128xf32, #tpu.memory_space<hbm>>
      tpu.wait_dma2 semaphore(%run_scoped3A : memref<!tpu.dma_semaphore, #tpu.memory_space<semaphore_mem>>) src(%arg7 : memref<256x128xf32, #tpu.memory_space<vmem>>) dst(%dma_wait3A_56 : memref<256x128xf32, #tpu.memory_space<hbm>>)
      tpu.yield
    }) : () -> ()
    %dma_start3A_30 = arith.constant 768 : i32
    %dma_start3A_31 = tpu.memref_slice %arg5[%dma_start3A_30] : memref<1024xi32, #tpu.memory_space<vmem>> -> memref<256xi32, #tpu.memory_space<vmem>>
    %dma_start3A_32 = arith.constant 0 : i32
    %dma_start3A_33 = arith.constant 0 : i32
    %dma_start3A_34 = tpu.memref_slice %arg2[%dma_start3A_32, %dma_start3A_33] : memref<512x128xf32, #tpu.memory_space<hbm>> -> memref<512x128xf32, #tpu.memory_space<hbm>>
    tpu.enqueue_indirect_dma source(%dma_start3A_34 : memref<512x128xf32, #tpu.memory_space<hbm>>) target(%arg7 : memref<256x128xf32, #tpu.memory_space<vmem>>) offsets(%dma_start3A_31 : memref<256xi32, #tpu.memory_space<vmem>>) semaphore(%arg9 : memref<!tpu.dma_semaphore, #tpu.memory_space<semaphore_mem>>)
    %dma_wait3A_35 = arith.constant 512 : i32
    %dma_wait3A_36 = tpu.memref_slice %arg5[%dma_wait3A_35] : memref<1024xi32, #tpu.memory_space<vmem>> -> memref<256xi32, #tpu.memory_space<vmem>>
    %dma_wait3A_37 = arith.constant 0 : i32
    %dma_wait3A_38 = arith.constant 0 : i32
    %dma_wait3A_39 = tpu.memref_slice %arg2[%dma_wait3A_37, %dma_wait3A_38] : memref<512x128xf32, #tpu.memory_space<hbm>> -> memref<512x128xf32, #tpu.memory_space<hbm>>
    tpu.wait_indirect_dma semaphore(%arg8 : memref<!tpu.dma_semaphore, #tpu.memory_space<semaphore_mem>>) src(%dma_wait3A_39 : memref<512x128xf32, #tpu.memory_space<hbm>>) dst(%arg6 : memref<256x128xf32, #tpu.memory_space<vmem>>)
    %add3A_40 = arith.constant 512 : i32
    %add3A_41 = arith.addi %mul3A_2, %add3A_40 : i32
    "tpu.region"() ({
      %run_scoped3A = tpu.sem_alloc : memref<!tpu.dma_semaphore, #tpu.memory_space<semaphore_mem>>
      %dma_start3A_49 = arith.constant 0 : i32
      %dma_start3A_50 = tpu.memref_slice %arg4[%add3A_41, %dma_start3A_49] : memref<32768x128xf32, #tpu.memory_space<hbm>> -> memref<256x128xf32, #tpu.memory_space<hbm>>
      %dma_start3A_51 = arith.constant 0 : i32
      %dma_start3A_52 = tpu.memref_slice %arg4[%add3A_41, %dma_start3A_51] : memref<32768x128xf32, #tpu.memory_space<hbm>> -> memref<256x128xf32, #tpu.memory_space<hbm>>
      tpu.enqueue_dma source(%arg6 : memref<256x128xf32, #tpu.memory_space<vmem>>) target(%dma_start3A_52 : memref<256x128xf32, #tpu.memory_space<hbm>>) target_semaphore(%run_scoped3A : memref<!tpu.dma_semaphore, #tpu.memory_space<semaphore_mem>>)
      %dma_wait3A_53 = arith.constant 0 : i32
      %dma_wait3A_54 = tpu.memref_slice %arg4[%add3A_41, %dma_wait3A_53] : memref<32768x128xf32, #tpu.memory_space<hbm>> -> memref<256x128xf32, #tpu.memory_space<hbm>>
      %dma_wait3A_55 = arith.constant 0 : i32
      %dma_wait3A_56 = tpu.memref_slice %arg4[%add3A_41, %dma_wait3A_55] : memref<32768x128xf32, #tpu.memory_space<hbm>> -> memref<256x128xf32, #tpu.memory_space<hbm>>
      tpu.wait_dma2 semaphore(%run_scoped3A : memref<!tpu.dma_semaphore, #tpu.memory_space<semaphore_mem>>) src(%arg6 : memref<256x128xf32, #tpu.memory_space<vmem>>) dst(%dma_wait3A_56 : memref<256x128xf32, #tpu.memory_space<hbm>>)
      tpu.yield
    }) : () -> ()
    %dma_wait3A_42 = arith.constant 768 : i32
    %dma_wait3A_43 = tpu.memref_slice %arg5[%dma_wait3A_42] : memref<1024xi32, #tpu.memory_space<vmem>> -> memref<256xi32, #tpu.memory_space<vmem>>
    %dma_wait3A_44 = arith.constant 0 : i32
    %dma_wait3A_45 = arith.constant 0 : i32
    %dma_wait3A_46 = tpu.memref_slice %arg2[%dma_wait3A_44, %dma_wait3A_45] : memref<512x128xf32, #tpu.memory_space<hbm>> -> memref<512x128xf32, #tpu.memory_space<hbm>>
    tpu.wait_indirect_dma semaphore(%arg9 : memref<!tpu.dma_semaphore, #tpu.memory_space<semaphore_mem>>) src(%dma_wait3A_46 : memref<512x128xf32, #tpu.memory_space<hbm>>) dst(%arg7 : memref<256x128xf32, #tpu.memory_space<vmem>>)
    %add3A_47 = arith.constant 768 : i32
    %add3A_48 = arith.addi %mul3A_2, %add3A_47 : i32
    "tpu.region"() ({
      %run_scoped3A = tpu.sem_alloc : memref<!tpu.dma_semaphore, #tpu.memory_space<semaphore_mem>>
      %dma_start3A_49 = arith.constant 0 : i32
      %dma_start3A_50 = tpu.memref_slice %arg4[%add3A_48, %dma_start3A_49] : memref<32768x128xf32, #tpu.memory_space<hbm>> -> memref<256x128xf32, #tpu.memory_space<hbm>>
      %dma_start3A_51 = arith.constant 0 : i32
      %dma_start3A_52 = tpu.memref_slice %arg4[%add3A_48, %dma_start3A_51] : memref<32768x128xf32, #tpu.memory_space<hbm>> -> memref<256x128xf32, #tpu.memory_space<hbm>>
      tpu.enqueue_dma source(%arg7 : memref<256x128xf32, #tpu.memory_space<vmem>>) target(%dma_start3A_52 : memref<256x128xf32, #tpu.memory_space<hbm>>) target_semaphore(%run_scoped3A : memref<!tpu.dma_semaphore, #tpu.memory_space<semaphore_mem>>)
      %dma_wait3A_53 = arith.constant 0 : i32
      %dma_wait3A_54 = tpu.memref_slice %arg4[%add3A_48, %dma_wait3A_53] : memref<32768x128xf32, #tpu.memory_space<hbm>> -> memref<256x128xf32, #tpu.memory_space<hbm>>
      %dma_wait3A_55 = arith.constant 0 : i32
      %dma_wait3A_56 = tpu.memref_slice %arg4[%add3A_48, %dma_wait3A_55] : memref<32768x128xf32, #tpu.memory_space<hbm>> -> memref<256x128xf32, #tpu.memory_space<hbm>>
      tpu.wait_dma2 semaphore(%run_scoped3A : memref<!tpu.dma_semaphore, #tpu.memory_space<semaphore_mem>>) src(%arg7 : memref<256x128xf32, #tpu.memory_space<vmem>>) dst(%dma_wait3A_56 : memref<256x128xf32, #tpu.memory_space<hbm>>)
      tpu.yield
    }) : () -> ()
    return
  }
}

module attributes {stable_mosaic.version = 14 : i64} {
  func.func @_tc_branch_body(%arg0: i32, %arg1: memref<1024x32xf32, #tpu.memory_space<vmem>>, %arg2: memref<1024x32xf32, #tpu.memory_space<vmem>>, %arg3: memref<1024x64xf32, #tpu.memory_space<vmem>>, %arg4: memref<64x64xf32, #tpu.memory_space<vmem>>, %arg5: memref<1x64xf32, #tpu.memory_space<vmem>>, %arg6: memref<1x64xf32, #tpu.memory_space<vmem>>, %arg7: memref<1x64xf32, #tpu.memory_space<vmem>>, %arg8: memref<64x32xf32, #tpu.memory_space<vmem>>, %arg9: memref<1x32xf32, #tpu.memory_space<vmem>>, %arg10: memref<32x1024xf32, #tpu.memory_space<vmem>>, %arg11: memref<1x1024xf32, #tpu.memory_space<vmem>>, %arg12: memref<1024xi32, #tpu.memory_space<vmem>>, %arg13: memref<1x1xf32, #tpu.memory_space<smem>>) attributes {dimension_semantics = [#tpu.dimension_semantics<arbitrary>], iteration_bounds = array<i64: 32>, scalar_prefetch = 0 : i64, scratch_operands = 0 : i64, tpu.core_type = #tpu.core_type<tc>, window_params = [{transform_indices = @transform_0, window_bounds = array<i64: 1024, 32>}, {transform_indices = @transform_1, window_bounds = array<i64: 1024, 32>}, {pipeline_mode = #tpu.pipeline_mode<synchronous>, transform_indices = @transform_2, window_bounds = array<i64: 1024, 64>}, {pipeline_mode = #tpu.pipeline_mode<synchronous>, transform_indices = @transform_3, window_bounds = array<i64: 64, 64>}, {pipeline_mode = #tpu.pipeline_mode<synchronous>, transform_indices = @transform_4, window_bounds = array<i64: 1, 64>}, {pipeline_mode = #tpu.pipeline_mode<synchronous>, transform_indices = @transform_5, window_bounds = array<i64: 1, 64>}, {pipeline_mode = #tpu.pipeline_mode<synchronous>, transform_indices = @transform_6, window_bounds = array<i64: 1, 64>}, {pipeline_mode = #tpu.pipeline_mode<synchronous>, transform_indices = @transform_7, window_bounds = array<i64: 64, 32>}, {pipeline_mode = #tpu.pipeline_mode<synchronous>, transform_indices = @transform_8, window_bounds = array<i64: 1, 32>}, {pipeline_mode = #tpu.pipeline_mode<synchronous>, transform_indices = @transform_9, window_bounds = array<i64: 32, 1024>}, {pipeline_mode = #tpu.pipeline_mode<synchronous>, transform_indices = @transform_10, window_bounds = array<i64: 1, 1024>}, {transform_indices = @transform_11, window_bounds = array<i64: 1024>}, {transform_indices = @transform_12, window_bounds = array<i64: 1, 1>}]} {
    %get3A = arith.constant 0 : index
    %get3A_0 = arith.constant 0 : index
    %get3A_1 = vector.load %arg1[%get3A, %get3A_0] : memref<1024x32xf32, #tpu.memory_space<vmem>>, vector<1024x32xf32>
    %get3A_2 = arith.constant 0 : index
    %get3A_3 = arith.constant 0 : index
    %get3A_4 = vector.load %arg2[%get3A_2, %get3A_3] : memref<1024x32xf32, #tpu.memory_space<vmem>>, vector<1024x32xf32>
    %concatenate3A = tpu.concatenate %get3A_1, %get3A_4 in 1 : vector<1024x32xf32>, vector<1024x32xf32> -> vector<1024x64xf32>
    %get3A_5 = arith.constant 0 : index
    %get3A_6 = arith.constant 0 : index
    %get3A_7 = vector.load %arg4[%get3A_5, %get3A_6] : memref<64x64xf32, #tpu.memory_space<vmem>>, vector<64x64xf32>
    %dot_general3A = arith.constant dense<0.000000e+00> : vector<1024x64xf32>
    %dot_general3A_8 = tpu.matmul %concatenate3A, %get3A_7, %dot_general3A {dimension_numbers = #tpu.dot_dimension_numbers<[1], [0], [0], [1], [0, 0, 1, 1], [], []>, transpose_lhs_hint = false} : vector<1024x64xf32>, vector<64x64xf32>, vector<1024x64xf32> -> vector<1024x64xf32>
    %get3A_9 = arith.constant 0 : index
    %get3A_10 = arith.constant 0 : index
    %get3A_11 = vector.load %arg5[%get3A_9, %get3A_10] : memref<1x64xf32, #tpu.memory_space<vmem>>, vector<1x64xf32>
    %add3A = vector.broadcast %get3A_11 : vector<1x64xf32> to vector<1024x64xf32>
    %add3A_12 = arith.addf %dot_general3A_8, %add3A : vector<1024x64xf32>
    %reduce_sum3A = arith.constant dense<0.000000e+00> : vector<1024xf32>
    %reduce_sum3A_13 = vector.multi_reduction <add>, %add3A_12, %reduce_sum3A [1] : vector<1024x64xf32> to vector<1024xf32>
    %broadcast_in_dim3A = vector.shape_cast %reduce_sum3A_13 : vector<1024xf32> to vector<1024x1xf32>
    %div3A = arith.constant 6.400000e+01 : f32
    %div3A_14 = vector.broadcast %div3A : f32 to vector<1024x1xf32>
    %div3A_15 = arith.divf %broadcast_in_dim3A, %div3A_14 : vector<1024x1xf32>
    %sub3A = vector.broadcast %div3A_15 : vector<1024x1xf32> to vector<1024x64xf32>
    %sub3A_16 = arith.subf %add3A_12, %sub3A : vector<1024x64xf32>
    %integer_pow3A = arith.mulf %sub3A_16, %sub3A_16 : vector<1024x64xf32>
    %reduce_sum3A_17 = arith.constant dense<0.000000e+00> : vector<1024xf32>
    %reduce_sum3A_18 = vector.multi_reduction <add>, %integer_pow3A, %reduce_sum3A_17 [1] : vector<1024x64xf32> to vector<1024xf32>
    %broadcast_in_dim3A_19 = vector.shape_cast %reduce_sum3A_18 : vector<1024xf32> to vector<1024x1xf32>
    %div3A_20 = arith.constant 6.400000e+01 : f32
    %div3A_21 = vector.broadcast %div3A_20 : f32 to vector<1024x1xf32>
    %div3A_22 = arith.divf %broadcast_in_dim3A_19, %div3A_21 : vector<1024x1xf32>
    %sub3A_23 = vector.broadcast %div3A_15 : vector<1024x1xf32> to vector<1024x64xf32>
    %sub3A_24 = arith.subf %add3A_12, %sub3A_23 : vector<1024x64xf32>
    %add3A_25 = arith.constant 9.99999974E-6 : f32
    %add3A_26 = vector.broadcast %add3A_25 : f32 to vector<1024x1xf32>
    %add3A_27 = arith.addf %div3A_22, %add3A_26 : vector<1024x1xf32>
    %sqrt3A = math.sqrt %add3A_27 : vector<1024x1xf32>
    %div3A_28 = vector.broadcast %sqrt3A : vector<1024x1xf32> to vector<1024x64xf32>
    %div3A_29 = arith.divf %sub3A_24, %div3A_28 : vector<1024x64xf32>
    %get3A_30 = arith.constant 0 : index
    %get3A_31 = arith.constant 0 : index
    %get3A_32 = vector.load %arg6[%get3A_30, %get3A_31] : memref<1x64xf32, #tpu.memory_space<vmem>>, vector<1x64xf32>
    %mul3A = vector.broadcast %get3A_32 : vector<1x64xf32> to vector<1024x64xf32>
    %mul3A_33 = arith.mulf %div3A_29, %mul3A : vector<1024x64xf32>
    %get3A_34 = arith.constant 0 : index
    %get3A_35 = arith.constant 0 : index
    %get3A_36 = vector.load %arg7[%get3A_34, %get3A_35] : memref<1x64xf32, #tpu.memory_space<vmem>>, vector<1x64xf32>
    %add3A_37 = vector.broadcast %get3A_36 : vector<1x64xf32> to vector<1024x64xf32>
    %add3A_38 = arith.addf %mul3A_33, %add3A_37 : vector<1024x64xf32>
    %max3A = arith.constant 0.000000e+00 : f32
    %max3A_39 = vector.broadcast %max3A : f32 to vector<1024x64xf32>
    %max3A_40 = arith.maximumf %add3A_38, %max3A_39 : vector<1024x64xf32>
    %get3A_41 = arith.constant 0 : index
    %get3A_42 = arith.constant 0 : index
    %get3A_43 = vector.load %arg8[%get3A_41, %get3A_42] : memref<64x32xf32, #tpu.memory_space<vmem>>, vector<64x32xf32>
    %dot_general3A_44 = arith.constant dense<0.000000e+00> : vector<1024x32xf32>
    %dot_general3A_45 = tpu.matmul %max3A_40, %get3A_43, %dot_general3A_44 {dimension_numbers = #tpu.dot_dimension_numbers<[1], [0], [0], [1], [0, 0, 1, 1], [], []>, transpose_lhs_hint = false} : vector<1024x64xf32>, vector<64x32xf32>, vector<1024x32xf32> -> vector<1024x32xf32>
    %get3A_46 = arith.constant 0 : index
    %get3A_47 = arith.constant 0 : index
    %get3A_48 = vector.load %arg9[%get3A_46, %get3A_47] : memref<1x32xf32, #tpu.memory_space<vmem>>, vector<1x32xf32>
    %add3A_49 = vector.broadcast %get3A_48 : vector<1x32xf32> to vector<1024x32xf32>
    %add3A_50 = arith.addf %dot_general3A_45, %add3A_49 : vector<1024x32xf32>
    %max3A_51 = arith.constant 0.000000e+00 : f32
    %max3A_52 = vector.broadcast %max3A_51 : f32 to vector<1024x32xf32>
    %max3A_53 = arith.maximumf %add3A_50, %max3A_52 : vector<1024x32xf32>
    %get3A_54 = arith.constant 0 : index
    %get3A_55 = arith.constant 0 : index
    %get3A_56 = vector.load %arg10[%get3A_54, %get3A_55] : memref<32x1024xf32, #tpu.memory_space<vmem>>, vector<32x1024xf32>
    %dot_general3A_57 = arith.constant dense<0.000000e+00> : vector<1024x1024xf32>
    %dot_general3A_58 = tpu.matmul %max3A_53, %get3A_56, %dot_general3A_57 {dimension_numbers = #tpu.dot_dimension_numbers<[1], [0], [0], [1], [0, 0, 1, 1], [], []>, transpose_lhs_hint = false} : vector<1024x32xf32>, vector<32x1024xf32>, vector<1024x1024xf32> -> vector<1024x1024xf32>
    %get3A_59 = arith.constant 0 : index
    %get3A_60 = arith.constant 0 : index
    %get3A_61 = vector.load %arg11[%get3A_59, %get3A_60] : memref<1x1024xf32, #tpu.memory_space<vmem>>, vector<1x1024xf32>
    %add3A_62 = vector.broadcast %get3A_61 : vector<1x1024xf32> to vector<1024x1024xf32>
    %add3A_63 = arith.addf %dot_general3A_58, %add3A_62 : vector<1024x1024xf32>
    %mul3A_64 = arith.mulf %concatenate3A, %concatenate3A : vector<1024x64xf32>
    %reduce_sum3A_65 = arith.constant dense<0.000000e+00> : vector<1024xf32>
    %reduce_sum3A_66 = vector.multi_reduction <add>, %mul3A_64, %reduce_sum3A_65 [1] : vector<1024x64xf32> to vector<1024xf32>
    %broadcast_in_dim3A_67 = vector.shape_cast %reduce_sum3A_66 : vector<1024xf32> to vector<1024x1xf32>
    %get3A_68 = arith.constant 0 : index
    %get3A_69 = arith.constant 0 : index
    %get3A_70 = vector.load %arg3[%get3A_68, %get3A_69] : memref<1024x64xf32, #tpu.memory_space<vmem>>, vector<1024x64xf32>
    %mul3A_71 = arith.mulf %get3A_70, %get3A_70 : vector<1024x64xf32>
    %reduce_sum3A_72 = arith.constant dense<0.000000e+00> : vector<1024xf32>
    %reduce_sum3A_73 = vector.multi_reduction <add>, %mul3A_71, %reduce_sum3A_72 [1] : vector<1024x64xf32> to vector<1024xf32>
    %broadcast_in_dim3A_74 = vector.shape_cast %reduce_sum3A_73 : vector<1024xf32> to vector<1x1024xf32>
    %dot_general3A_75 = arith.constant dense<0.000000e+00> : vector<1024x1024xf32>
    %dot_general3A_76 = tpu.matmul %concatenate3A, %get3A_70, %dot_general3A_75 {dimension_numbers = #tpu.dot_dimension_numbers<[1], [1], [0], [0], [0, 0, 1, 0], [], []>, transpose_lhs_hint = false} : vector<1024x64xf32>, vector<1024x64xf32>, vector<1024x1024xf32> -> vector<1024x1024xf32>
    %add3A_77 = vector.broadcast %broadcast_in_dim3A_67 : vector<1024x1xf32> to vector<1024x1024xf32>
    %add3A_78 = vector.broadcast %broadcast_in_dim3A_74 : vector<1x1024xf32> to vector<1024x1024xf32>
    %add3A_79 = arith.addf %add3A_77, %add3A_78 : vector<1024x1024xf32>
    %mul3A_80 = arith.constant 2.000000e+00 : f32
    %mul3A_81 = vector.broadcast %mul3A_80 : f32 to vector<1024x1024xf32>
    %mul3A_82 = arith.mulf %mul3A_81, %dot_general3A_76 : vector<1024x1024xf32>
    %sub3A_83 = arith.subf %add3A_79, %mul3A_82 : vector<1024x1024xf32>
    %neg3A = arith.constant 0.000000e+00 : f32
    %neg3A_84 = vector.broadcast %neg3A : f32 to vector<1024x1024xf32>
    %neg3A_85 = arith.subf %neg3A_84, %sub3A_83 : vector<1024x1024xf32>
    %mul3A_86 = arith.constant 3.000000e+00 : f32
    %mul3A_87 = vector.broadcast %mul3A_86 : f32 to vector<1024x1024xf32>
    %mul3A_88 = arith.mulf %mul3A_87, %add3A_63 : vector<1024x1024xf32>
    %add3A_89 = arith.addf %neg3A_85, %mul3A_88 : vector<1024x1024xf32>
    %argmax3A = tpu.reduce_index %add3A_89 {axis = 1 : i32, kind = #tpu.reduction_kind<arg_max>} : vector<1024x1024xf32> -> vector<1024xi32>
    %swap3A = arith.constant 0 : index
    %swap3A_90 = vector.load %arg12[%swap3A] : memref<1024xi32, #tpu.memory_space<vmem>>, vector<1024xi32>
    tpu.vector_store %arg12[%swap3A], %argmax3A {strides = array<i32>} : memref<1024xi32, #tpu.memory_space<vmem>>, vector<1024xi32>,
    %iota3A = tpu.iota {dimensions = array<i32: 1>} : vector<1024x1024xi32>
    %broadcast_in_dim3A_91 = vector.shape_cast %argmax3A : vector<1024xi32> to vector<1024x1xi32>
    %eq3A = vector.broadcast %broadcast_in_dim3A_91 : vector<1024x1xi32> to vector<1024x1024xi32>
    %eq3A_92 = arith.cmpi eq, %iota3A, %eq3A : vector<1024x1024xi32>
    %jit3A = arith.constant 0.000000e+00 : f32
    %broadcast_in_dim3A_93 = vector.broadcast %jit3A : f32 to vector<1024x1024xf32>
    %select_n3A = arith.select %eq3A_92, %sub3A_83, %broadcast_in_dim3A_93 : vector<1024x1024xi1>, vector<1024x1024xf32>
    %reduce_sum3A_94 = vector.shape_cast %select_n3A : vector<1024x1024xf32> to vector<1x1024x1024xf32>
    %reduce_sum3A_95 = arith.constant dense<0.000000e+00> : vector<1xf32>
    %reduce_sum3A_96 = vector.multi_reduction <add>, %reduce_sum3A_94, %reduce_sum3A_95 [1, 2] : vector<1x1024x1024xf32> to vector<1xf32>
    %reduce_sum3A_97 = vector.shape_cast %reduce_sum3A_96 : vector<1xf32> to vector<1x1x1xf32>
    %reduce_sum3A_98 = vector.extract %reduce_sum3A_97[0, 0, 0] : f32 from vector<1x1x1xf32>
    %eq3A_99 = arith.constant 0 : i32
    %eq3A_100 = arith.cmpi eq, %arg0, %eq3A_99 : i32
    %convert_element_type3A = arith.extui %eq3A_100 : i1 to i32
    %cond3A = arith.constant 0 : i32
    %cond3A_101 = arith.cmpi ne, %convert_element_type3A, %cond3A : i32
    scf.if %cond3A_101 {
      %swap3A_109 = arith.constant 0.000000e+00 : f32
      %swap3A_110 = arith.constant 0 : index
      %swap3A_111 = arith.constant 0 : index
      %swap3A_112 = memref.load %arg13[%swap3A_110, %swap3A_111] : memref<1x1xf32, #tpu.memory_space<smem>>
      memref.store %swap3A_109, %arg13[%swap3A_110, %swap3A_111] : memref<1x1xf32, #tpu.memory_space<smem>>
    } else {
    }
    %get3A_102 = arith.constant 0 : index
    %get3A_103 = arith.constant 0 : index
    %get3A_104 = memref.load %arg13[%get3A_102, %get3A_103] : memref<1x1xf32, #tpu.memory_space<smem>>
    %add3A_105 = arith.addf %get3A_104, %reduce_sum3A_98 : f32
    %swap3A_106 = arith.constant 0 : index
    %swap3A_107 = arith.constant 0 : index
    %swap3A_108 = memref.load %arg13[%swap3A_106, %swap3A_107] : memref<1x1xf32, #tpu.memory_space<smem>>
    memref.store %add3A_105, %arg13[%swap3A_106, %swap3A_107] : memref<1x1xf32, #tpu.memory_space<smem>>
    return
  }
  func.func @transform_0(%arg0: i32) -> (i32, i32) {
    %c0_i32 = arith.constant 0 : i32
    %c0_i32_0 = arith.constant 0 : i32
    return %arg0, %c0_i32 : i32, i32
  }
  func.func @transform_1(%arg0: i32) -> (i32, i32) {
    %c0_i32 = arith.constant 0 : i32
    %c0_i32_0 = arith.constant 0 : i32
    return %arg0, %c0_i32 : i32, i32
  }
  func.func @transform_2(%arg0: i32) -> (i32, i32) {
    %c0_i32 = arith.constant 0 : i32
    %c0_i32_0 = arith.constant 0 : i32
    %c0_i32_1 = arith.constant 0 : i32
    return %c0_i32, %c0_i32_0 : i32, i32
  }
  func.func @transform_3(%arg0: i32) -> (i32, i32) {
    %c0_i32 = arith.constant 0 : i32
    %c0_i32_0 = arith.constant 0 : i32
    %c0_i32_1 = arith.constant 0 : i32
    return %c0_i32, %c0_i32_0 : i32, i32
  }
  func.func @transform_4(%arg0: i32) -> (i32, i32) {
    %c0_i32 = arith.constant 0 : i32
    %c0_i32_0 = arith.constant 0 : i32
    %c0_i32_1 = arith.constant 0 : i32
    return %c0_i32, %c0_i32_0 : i32, i32
  }
  func.func @transform_5(%arg0: i32) -> (i32, i32) {
    %c0_i32 = arith.constant 0 : i32
    %c0_i32_0 = arith.constant 0 : i32
    %c0_i32_1 = arith.constant 0 : i32
    return %c0_i32, %c0_i32_0 : i32, i32
  }
  func.func @transform_6(%arg0: i32) -> (i32, i32) {
    %c0_i32 = arith.constant 0 : i32
    %c0_i32_0 = arith.constant 0 : i32
    %c0_i32_1 = arith.constant 0 : i32
    return %c0_i32, %c0_i32_0 : i32, i32
  }
  func.func @transform_7(%arg0: i32) -> (i32, i32) {
    %c0_i32 = arith.constant 0 : i32
    %c0_i32_0 = arith.constant 0 : i32
    %c0_i32_1 = arith.constant 0 : i32
    return %c0_i32, %c0_i32_0 : i32, i32
  }
  func.func @transform_8(%arg0: i32) -> (i32, i32) {
    %c0_i32 = arith.constant 0 : i32
    %c0_i32_0 = arith.constant 0 : i32
    %c0_i32_1 = arith.constant 0 : i32
    return %c0_i32, %c0_i32_0 : i32, i32
  }
  func.func @transform_9(%arg0: i32) -> (i32, i32) {
    %c0_i32 = arith.constant 0 : i32
    %c0_i32_0 = arith.constant 0 : i32
    %c0_i32_1 = arith.constant 0 : i32
    return %c0_i32, %c0_i32_0 : i32, i32
  }
  func.func @transform_10(%arg0: i32) -> (i32, i32) {
    %c0_i32 = arith.constant 0 : i32
    %c0_i32_0 = arith.constant 0 : i32
    %c0_i32_1 = arith.constant 0 : i32
    return %c0_i32, %c0_i32_0 : i32, i32
  }
  func.func @transform_11(%arg0: i32) -> i32 {
    %c0_i32 = arith.constant 0 : i32
    return %arg0 : i32
  }
  func.func @transform_12(%arg0: i32) -> (i32, i32) {
    %c0_i32 = arith.constant 0 : i32
    %c0_i32_0 = arith.constant 0 : i32
    %c0_i32_1 = arith.constant 0 : i32
    return %c0_i32, %c0_i32_0 : i32, i32
  }
}

module attributes {stable_mosaic.version = 14 : i64} {
  func.func @_tc_branch_body(%arg0: i32, %arg1: memref<1024x32xf32, #tpu.memory_space<vmem>>, %arg2: memref<1024x32xf32, #tpu.memory_space<vmem>>, %arg3: memref<512x64xf32, #tpu.memory_space<vmem>>, %arg4: memref<64x64xf32, #tpu.memory_space<vmem>>, %arg5: memref<1x64xf32, #tpu.memory_space<vmem>>, %arg6: memref<1x64xf32, #tpu.memory_space<vmem>>, %arg7: memref<1x64xf32, #tpu.memory_space<vmem>>, %arg8: memref<64x32xf32, #tpu.memory_space<vmem>>, %arg9: memref<1x32xf32, #tpu.memory_space<vmem>>, %arg10: memref<32x512xf32, #tpu.memory_space<vmem>>, %arg11: memref<1x512xf32, #tpu.memory_space<vmem>>, %arg12: memref<1024xi32, #tpu.memory_space<vmem>>, %arg13: memref<1x1xf32, #tpu.memory_space<smem>>) attributes {dimension_semantics = [#tpu.dimension_semantics<arbitrary>], iteration_bounds = array<i64: 32>, scalar_prefetch = 0 : i64, scratch_operands = 0 : i64, tpu.core_type = #tpu.core_type<tc>, window_params = [{transform_indices = @transform_0, window_bounds = array<i64: 1024, 32>}, {transform_indices = @transform_1, window_bounds = array<i64: 1024, 32>}, {pipeline_mode = #tpu.pipeline_mode<synchronous>, transform_indices = @transform_2, window_bounds = array<i64: 512, 64>}, {pipeline_mode = #tpu.pipeline_mode<synchronous>, transform_indices = @transform_3, window_bounds = array<i64: 64, 64>}, {pipeline_mode = #tpu.pipeline_mode<synchronous>, transform_indices = @transform_4, window_bounds = array<i64: 1, 64>}, {pipeline_mode = #tpu.pipeline_mode<synchronous>, transform_indices = @transform_5, window_bounds = array<i64: 1, 64>}, {pipeline_mode = #tpu.pipeline_mode<synchronous>, transform_indices = @transform_6, window_bounds = array<i64: 1, 64>}, {pipeline_mode = #tpu.pipeline_mode<synchronous>, transform_indices = @transform_7, window_bounds = array<i64: 64, 32>}, {pipeline_mode = #tpu.pipeline_mode<synchronous>, transform_indices = @transform_8, window_bounds = array<i64: 1, 32>}, {pipeline_mode = #tpu.pipeline_mode<synchronous>, transform_indices = @transform_9, window_bounds = array<i64: 32, 512>}, {pipeline_mode = #tpu.pipeline_mode<synchronous>, transform_indices = @transform_10, window_bounds = array<i64: 1, 512>}, {transform_indices = @transform_11, window_bounds = array<i64: 1024>}, {transform_indices = @transform_12, window_bounds = array<i64: 1, 1>}]} {
    %get3A = arith.constant 0 : index
    %get3A_0 = arith.constant 0 : index
    %get3A_1 = vector.load %arg1[%get3A, %get3A_0] : memref<1024x32xf32, #tpu.memory_space<vmem>>, vector<1024x32xf32>
    %get3A_2 = arith.constant 0 : index
    %get3A_3 = arith.constant 0 : index
    %get3A_4 = vector.load %arg2[%get3A_2, %get3A_3] : memref<1024x32xf32, #tpu.memory_space<vmem>>, vector<1024x32xf32>
    %concatenate3A = tpu.concatenate %get3A_1, %get3A_4 in 1 : vector<1024x32xf32>, vector<1024x32xf32> -> vector<1024x64xf32>
    %get3A_5 = arith.constant 0 : index
    %get3A_6 = arith.constant 0 : index
    %get3A_7 = vector.load %arg4[%get3A_5, %get3A_6] : memref<64x64xf32, #tpu.memory_space<vmem>>, vector<64x64xf32>
    %dot_general3A = arith.constant dense<0.000000e+00> : vector<1024x64xf32>
    %dot_general3A_8 = tpu.matmul %concatenate3A, %get3A_7, %dot_general3A {dimension_numbers = #tpu.dot_dimension_numbers<[1], [0], [0], [1], [0, 0, 1, 1], [], []>, transpose_lhs_hint = false} : vector<1024x64xf32>, vector<64x64xf32>, vector<1024x64xf32> -> vector<1024x64xf32>
    %get3A_9 = arith.constant 0 : index
    %get3A_10 = arith.constant 0 : index
    %get3A_11 = vector.load %arg5[%get3A_9, %get3A_10] : memref<1x64xf32, #tpu.memory_space<vmem>>, vector<1x64xf32>
    %add3A = vector.broadcast %get3A_11 : vector<1x64xf32> to vector<1024x64xf32>
    %add3A_12 = arith.addf %dot_general3A_8, %add3A : vector<1024x64xf32>
    %reduce_sum3A = arith.constant dense<0.000000e+00> : vector<1024xf32>
    %reduce_sum3A_13 = vector.multi_reduction <add>, %add3A_12, %reduce_sum3A [1] : vector<1024x64xf32> to vector<1024xf32>
    %broadcast_in_dim3A = vector.shape_cast %reduce_sum3A_13 : vector<1024xf32> to vector<1024x1xf32>
    %div3A = arith.constant 6.400000e+01 : f32
    %div3A_14 = vector.broadcast %div3A : f32 to vector<1024x1xf32>
    %div3A_15 = arith.divf %broadcast_in_dim3A, %div3A_14 : vector<1024x1xf32>
    %sub3A = vector.broadcast %div3A_15 : vector<1024x1xf32> to vector<1024x64xf32>
    %sub3A_16 = arith.subf %add3A_12, %sub3A : vector<1024x64xf32>
    %integer_pow3A = arith.mulf %sub3A_16, %sub3A_16 : vector<1024x64xf32>
    %reduce_sum3A_17 = arith.constant dense<0.000000e+00> : vector<1024xf32>
    %reduce_sum3A_18 = vector.multi_reduction <add>, %integer_pow3A, %reduce_sum3A_17 [1] : vector<1024x64xf32> to vector<1024xf32>
    %broadcast_in_dim3A_19 = vector.shape_cast %reduce_sum3A_18 : vector<1024xf32> to vector<1024x1xf32>
    %div3A_20 = arith.constant 6.400000e+01 : f32
    %div3A_21 = vector.broadcast %div3A_20 : f32 to vector<1024x1xf32>
    %div3A_22 = arith.divf %broadcast_in_dim3A_19, %div3A_21 : vector<1024x1xf32>
    %sub3A_23 = vector.broadcast %div3A_15 : vector<1024x1xf32> to vector<1024x64xf32>
    %sub3A_24 = arith.subf %add3A_12, %sub3A_23 : vector<1024x64xf32>
    %add3A_25 = arith.constant 9.99999974E-6 : f32
    %add3A_26 = vector.broadcast %add3A_25 : f32 to vector<1024x1xf32>
    %add3A_27 = arith.addf %div3A_22, %add3A_26 : vector<1024x1xf32>
    %sqrt3A = math.sqrt %add3A_27 : vector<1024x1xf32>
    %div3A_28 = vector.broadcast %sqrt3A : vector<1024x1xf32> to vector<1024x64xf32>
    %div3A_29 = arith.divf %sub3A_24, %div3A_28 : vector<1024x64xf32>
    %get3A_30 = arith.constant 0 : index
    %get3A_31 = arith.constant 0 : index
    %get3A_32 = vector.load %arg6[%get3A_30, %get3A_31] : memref<1x64xf32, #tpu.memory_space<vmem>>, vector<1x64xf32>
    %mul3A = vector.broadcast %get3A_32 : vector<1x64xf32> to vector<1024x64xf32>
    %mul3A_33 = arith.mulf %div3A_29, %mul3A : vector<1024x64xf32>
    %get3A_34 = arith.constant 0 : index
    %get3A_35 = arith.constant 0 : index
    %get3A_36 = vector.load %arg7[%get3A_34, %get3A_35] : memref<1x64xf32, #tpu.memory_space<vmem>>, vector<1x64xf32>
    %add3A_37 = vector.broadcast %get3A_36 : vector<1x64xf32> to vector<1024x64xf32>
    %add3A_38 = arith.addf %mul3A_33, %add3A_37 : vector<1024x64xf32>
    %max3A = arith.constant 0.000000e+00 : f32
    %max3A_39 = vector.broadcast %max3A : f32 to vector<1024x64xf32>
    %max3A_40 = arith.maximumf %add3A_38, %max3A_39 : vector<1024x64xf32>
    %get3A_41 = arith.constant 0 : index
    %get3A_42 = arith.constant 0 : index
    %get3A_43 = vector.load %arg8[%get3A_41, %get3A_42] : memref<64x32xf32, #tpu.memory_space<vmem>>, vector<64x32xf32>
    %dot_general3A_44 = arith.constant dense<0.000000e+00> : vector<1024x32xf32>
    %dot_general3A_45 = tpu.matmul %max3A_40, %get3A_43, %dot_general3A_44 {dimension_numbers = #tpu.dot_dimension_numbers<[1], [0], [0], [1], [0, 0, 1, 1], [], []>, transpose_lhs_hint = false} : vector<1024x64xf32>, vector<64x32xf32>, vector<1024x32xf32> -> vector<1024x32xf32>
    %get3A_46 = arith.constant 0 : index
    %get3A_47 = arith.constant 0 : index
    %get3A_48 = vector.load %arg9[%get3A_46, %get3A_47] : memref<1x32xf32, #tpu.memory_space<vmem>>, vector<1x32xf32>
    %add3A_49 = vector.broadcast %get3A_48 : vector<1x32xf32> to vector<1024x32xf32>
    %add3A_50 = arith.addf %dot_general3A_45, %add3A_49 : vector<1024x32xf32>
    %max3A_51 = arith.constant 0.000000e+00 : f32
    %max3A_52 = vector.broadcast %max3A_51 : f32 to vector<1024x32xf32>
    %max3A_53 = arith.maximumf %add3A_50, %max3A_52 : vector<1024x32xf32>
    %get3A_54 = arith.constant 0 : index
    %get3A_55 = arith.constant 0 : index
    %get3A_56 = vector.load %arg10[%get3A_54, %get3A_55] : memref<32x512xf32, #tpu.memory_space<vmem>>, vector<32x512xf32>
    %dot_general3A_57 = arith.constant dense<0.000000e+00> : vector<1024x512xf32>
    %dot_general3A_58 = tpu.matmul %max3A_53, %get3A_56, %dot_general3A_57 {dimension_numbers = #tpu.dot_dimension_numbers<[1], [0], [0], [1], [0, 0, 1, 1], [], []>, transpose_lhs_hint = false} : vector<1024x32xf32>, vector<32x512xf32>, vector<1024x512xf32> -> vector<1024x512xf32>
    %get3A_59 = arith.constant 0 : index
    %get3A_60 = arith.constant 0 : index
    %get3A_61 = vector.load %arg11[%get3A_59, %get3A_60] : memref<1x512xf32, #tpu.memory_space<vmem>>, vector<1x512xf32>
    %add3A_62 = vector.broadcast %get3A_61 : vector<1x512xf32> to vector<1024x512xf32>
    %add3A_63 = arith.addf %dot_general3A_58, %add3A_62 : vector<1024x512xf32>
    %mul3A_64 = arith.mulf %concatenate3A, %concatenate3A : vector<1024x64xf32>
    %reduce_sum3A_65 = arith.constant dense<0.000000e+00> : vector<1024xf32>
    %reduce_sum3A_66 = vector.multi_reduction <add>, %mul3A_64, %reduce_sum3A_65 [1] : vector<1024x64xf32> to vector<1024xf32>
    %broadcast_in_dim3A_67 = vector.shape_cast %reduce_sum3A_66 : vector<1024xf32> to vector<1024x1xf32>
    %get3A_68 = arith.constant 0 : index
    %get3A_69 = arith.constant 0 : index
    %get3A_70 = vector.load %arg3[%get3A_68, %get3A_69] : memref<512x64xf32, #tpu.memory_space<vmem>>, vector<512x64xf32>
    %mul3A_71 = arith.mulf %get3A_70, %get3A_70 : vector<512x64xf32>
    %reduce_sum3A_72 = arith.constant dense<0.000000e+00> : vector<512xf32>
    %reduce_sum3A_73 = vector.multi_reduction <add>, %mul3A_71, %reduce_sum3A_72 [1] : vector<512x64xf32> to vector<512xf32>
    %broadcast_in_dim3A_74 = vector.shape_cast %reduce_sum3A_73 : vector<512xf32> to vector<1x512xf32>
    %dot_general3A_75 = arith.constant dense<0.000000e+00> : vector<1024x512xf32>
    %dot_general3A_76 = tpu.matmul %concatenate3A, %get3A_70, %dot_general3A_75 {dimension_numbers = #tpu.dot_dimension_numbers<[1], [1], [0], [0], [0, 0, 1, 0], [], []>, transpose_lhs_hint = false} : vector<1024x64xf32>, vector<512x64xf32>, vector<1024x512xf32> -> vector<1024x512xf32>
    %add3A_77 = vector.broadcast %broadcast_in_dim3A_67 : vector<1024x1xf32> to vector<1024x512xf32>
    %add3A_78 = vector.broadcast %broadcast_in_dim3A_74 : vector<1x512xf32> to vector<1024x512xf32>
    %add3A_79 = arith.addf %add3A_77, %add3A_78 : vector<1024x512xf32>
    %mul3A_80 = arith.constant 2.000000e+00 : f32
    %mul3A_81 = vector.broadcast %mul3A_80 : f32 to vector<1024x512xf32>
    %mul3A_82 = arith.mulf %mul3A_81, %dot_general3A_76 : vector<1024x512xf32>
    %sub3A_83 = arith.subf %add3A_79, %mul3A_82 : vector<1024x512xf32>
    %neg3A = arith.constant 0.000000e+00 : f32
    %neg3A_84 = vector.broadcast %neg3A : f32 to vector<1024x512xf32>
    %neg3A_85 = arith.subf %neg3A_84, %sub3A_83 : vector<1024x512xf32>
    %mul3A_86 = arith.constant 3.000000e+00 : f32
    %mul3A_87 = vector.broadcast %mul3A_86 : f32 to vector<1024x512xf32>
    %mul3A_88 = arith.mulf %mul3A_87, %add3A_63 : vector<1024x512xf32>
    %add3A_89 = arith.addf %neg3A_85, %mul3A_88 : vector<1024x512xf32>
    %argmax3A = tpu.reduce_index %add3A_89 {axis = 1 : i32, kind = #tpu.reduction_kind<arg_max>} : vector<1024x512xf32> -> vector<1024xi32>
    %swap3A = arith.constant 0 : index
    %swap3A_90 = vector.load %arg12[%swap3A] : memref<1024xi32, #tpu.memory_space<vmem>>, vector<1024xi32>
    tpu.vector_store %arg12[%swap3A], %argmax3A {strides = array<i32>} : memref<1024xi32, #tpu.memory_space<vmem>>, vector<1024xi32>,
    %iota3A = tpu.iota {dimensions = array<i32: 1>} : vector<1024x512xi32>
    %broadcast_in_dim3A_91 = vector.shape_cast %argmax3A : vector<1024xi32> to vector<1024x1xi32>
    %eq3A = vector.broadcast %broadcast_in_dim3A_91 : vector<1024x1xi32> to vector<1024x512xi32>
    %eq3A_92 = arith.cmpi eq, %iota3A, %eq3A : vector<1024x512xi32>
    %jit3A = arith.constant 0.000000e+00 : f32
    %broadcast_in_dim3A_93 = vector.broadcast %jit3A : f32 to vector<1024x512xf32>
    %select_n3A = arith.select %eq3A_92, %sub3A_83, %broadcast_in_dim3A_93 : vector<1024x512xi1>, vector<1024x512xf32>
    %reduce_sum3A_94 = vector.shape_cast %select_n3A : vector<1024x512xf32> to vector<1x1024x512xf32>
    %reduce_sum3A_95 = arith.constant dense<0.000000e+00> : vector<1xf32>
    %reduce_sum3A_96 = vector.multi_reduction <add>, %reduce_sum3A_94, %reduce_sum3A_95 [1, 2] : vector<1x1024x512xf32> to vector<1xf32>
    %reduce_sum3A_97 = vector.shape_cast %reduce_sum3A_96 : vector<1xf32> to vector<1x1x1xf32>
    %reduce_sum3A_98 = vector.extract %reduce_sum3A_97[0, 0, 0] : f32 from vector<1x1x1xf32>
    %eq3A_99 = arith.constant 0 : i32
    %eq3A_100 = arith.cmpi eq, %arg0, %eq3A_99 : i32
    %convert_element_type3A = arith.extui %eq3A_100 : i1 to i32
    %cond3A = arith.constant 0 : i32
    %cond3A_101 = arith.cmpi ne, %convert_element_type3A, %cond3A : i32
    scf.if %cond3A_101 {
      %swap3A_109 = arith.constant 0.000000e+00 : f32
      %swap3A_110 = arith.constant 0 : index
      %swap3A_111 = arith.constant 0 : index
      %swap3A_112 = memref.load %arg13[%swap3A_110, %swap3A_111] : memref<1x1xf32, #tpu.memory_space<smem>>
      memref.store %swap3A_109, %arg13[%swap3A_110, %swap3A_111] : memref<1x1xf32, #tpu.memory_space<smem>>
    } else {
    }
    %get3A_102 = arith.constant 0 : index
    %get3A_103 = arith.constant 0 : index
    %get3A_104 = memref.load %arg13[%get3A_102, %get3A_103] : memref<1x1xf32, #tpu.memory_space<smem>>
    %add3A_105 = arith.addf %get3A_104, %reduce_sum3A_98 : f32
    %swap3A_106 = arith.constant 0 : index
    %swap3A_107 = arith.constant 0 : index
    %swap3A_108 = memref.load %arg13[%swap3A_106, %swap3A_107] : memref<1x1xf32, #tpu.memory_space<smem>>
    memref.store %add3A_105, %arg13[%swap3A_106, %swap3A_107] : memref<1x1xf32, #tpu.memory_space<smem>>
    return
  }
  func.func @transform_0(%arg0: i32) -> (i32, i32) {
    %c0_i32 = arith.constant 0 : i32
    %c0_i32_0 = arith.constant 0 : i32
    return %arg0, %c0_i32 : i32, i32
  }
  func.func @transform_1(%arg0: i32) -> (i32, i32) {
    %c0_i32 = arith.constant 0 : i32
    %c0_i32_0 = arith.constant 0 : i32
    return %arg0, %c0_i32 : i32, i32
  }
  func.func @transform_2(%arg0: i32) -> (i32, i32) {
    %c0_i32 = arith.constant 0 : i32
    %c0_i32_0 = arith.constant 0 : i32
    %c0_i32_1 = arith.constant 0 : i32
    return %c0_i32, %c0_i32_0 : i32, i32
  }
  func.func @transform_3(%arg0: i32) -> (i32, i32) {
    %c0_i32 = arith.constant 0 : i32
    %c0_i32_0 = arith.constant 0 : i32
    %c0_i32_1 = arith.constant 0 : i32
    return %c0_i32, %c0_i32_0 : i32, i32
  }
  func.func @transform_4(%arg0: i32) -> (i32, i32) {
    %c0_i32 = arith.constant 0 : i32
    %c0_i32_0 = arith.constant 0 : i32
    %c0_i32_1 = arith.constant 0 : i32
    return %c0_i32, %c0_i32_0 : i32, i32
  }
  func.func @transform_5(%arg0: i32) -> (i32, i32) {
    %c0_i32 = arith.constant 0 : i32
    %c0_i32_0 = arith.constant 0 : i32
    %c0_i32_1 = arith.constant 0 : i32
    return %c0_i32, %c0_i32_0 : i32, i32
  }
  func.func @transform_6(%arg0: i32) -> (i32, i32) {
    %c0_i32 = arith.constant 0 : i32
    %c0_i32_0 = arith.constant 0 : i32
    %c0_i32_1 = arith.constant 0 : i32
    return %c0_i32, %c0_i32_0 : i32, i32
  }
  func.func @transform_7(%arg0: i32) -> (i32, i32) {
    %c0_i32 = arith.constant 0 : i32
    %c0_i32_0 = arith.constant 0 : i32
    %c0_i32_1 = arith.constant 0 : i32
    return %c0_i32, %c0_i32_0 : i32, i32
  }
  func.func @transform_8(%arg0: i32) -> (i32, i32) {
    %c0_i32 = arith.constant 0 : i32
    %c0_i32_0 = arith.constant 0 : i32
    %c0_i32_1 = arith.constant 0 : i32
    return %c0_i32, %c0_i32_0 : i32, i32
  }
  func.func @transform_9(%arg0: i32) -> (i32, i32) {
    %c0_i32 = arith.constant 0 : i32
    %c0_i32_0 = arith.constant 0 : i32
    %c0_i32_1 = arith.constant 0 : i32
    return %c0_i32, %c0_i32_0 : i32, i32
  }
  func.func @transform_10(%arg0: i32) -> (i32, i32) {
    %c0_i32 = arith.constant 0 : i32
    %c0_i32_0 = arith.constant 0 : i32
    %c0_i32_1 = arith.constant 0 : i32
    return %c0_i32, %c0_i32_0 : i32, i32
  }
  func.func @transform_11(%arg0: i32) -> i32 {
    %c0_i32 = arith.constant 0 : i32
    return %arg0 : i32
  }
  func.func @transform_12(%arg0: i32) -> (i32, i32) {
    %c0_i32 = arith.constant 0 : i32
    %c0_i32_0 = arith.constant 0 : i32
    %c0_i32_1 = arith.constant 0 : i32
    return %c0_i32, %c0_i32_0 : i32, i32
  }
}

</mosaic_0001>

<sc_bundles>
// kernel: kernel.6.cloned.1.call-start
scs
__scs_entry_jumppad:
0x0: {  	(pc) =	sbr.rel $0x88, $3  }
0x1: {  	(tag) =	ssettag $0x0;
	lr =	simm.s32 $0x1  }
0x2: {  	[smem:$0x3F8B] =	sst lr;
	_ =	strace $0xD0000000  }
0x3: {  	_ = 	snop  }
0x4: {  	_ = 	snop  }
0x5: {  	_ = 	snop  }
0x6: {  	_ = 	snop  }
0x7: {  	_ = 	snop  }
__scs_overlays_trampoline_lowered:
0x8: {  	[smem:$0x3F9A] =	sst s0  }
0x9: {  	[smem:$0x3F9B] =	sst s1  }
0xa: {  	[smem:$0x3F9C] =	sst s2  }
0xb: {  	[smem:$0x3F9D] =	sst s3  }
0xc: {  	[smem:$0x3F9E] =	sst s4  }
0xd: {  	[smem:$0x3F9F] =	sst s5  }
0xe: {  	[smem:$0x3FA0] =	sst s6  }
0xf: {  	[smem:$0x3FA1] =	sst s7  }
0x10: {  	[smem:$0x3FA2] =	sst s8  }
0x11: {  	[smem:$0x3FA3] =	sst s9;
	s0 =	simm.s32 @!p0 $0x0  }
0x12: {  	s1 =	sld [smem:$0x3F89];
	s0 =	simm.s32 @p0 $0x1  }
0x13: {  	[smem:$0x3FA4] =	sst s0;
	s0 =	simm.s32 @!p1 $0x0  }
0x14: {  	s2 =	sld [smem:$0x3F88];
	s0 =	simm.s32 @p1 $0x1  }
0x15: {  	[smem:$0x3FA5] =	sst s0;
	s0 =	simm.s32 @!p2 $0x0  }
0x16: {  	s3 =	sld [smem:$0x3FDB];
	s0 =	simm.s32 @p2 $0x1  }
0x17: {  	s4 =	simm.s32 $0x1BF5;
	[smem:$0x3FA7] =	sst s0  }
0x18: {  	s0 =	sld [smem:$0x3F8A];
	_ =	swait.ge [sflag:s4], $0x0  }
0x19: {  	s7 =	sld [smem:$0x3F8B]  }
0x1a: {  	s8 =	sadd.s32 $0xFFFFE003, lr  }
0x1b: {  	s9 =	sadd.s32 $0xFFFFFEF7, lr;
	s5 =	simm.s32 $0xFFFFFFFF;
	p2 =	slt.u32 s8, $0xFFFFF086  }
0x1c: {  	p1 =	slt.u32 s9, $0xF7A;
	s5 =	simm.s32 @!p2 $0x0  }
0x1d: {  	s5 =	simm.s32 @p1 $0x1;
	p0 =	seq.s32 s7, s2  }
0x1e: {  	s7 =	smul.u32 @!p0 $0xF7A, s2;
	p2 =	seq.s32 @!p0 s5, $0x0  }
0x1f: {  	s9 =	smul.u32 $0xF7A, s1;
	s8 =	simm.s32 @!p0 $0x1BF5;
	p2 =	por !p2, p0  }
0x20: {  	[sflag:s8] =	ssyncset.s32 @!p0 $0xFFFFF086;
	s6 =	sadd.s32 @!p0 s3, s7;
	s7 =	simm.s32 @!p0 $0x108  }
0x21: {  	s3 =	sadd.s32 s3, s9;
	s6 =	sadd.s32 @!p0 $0x88, s6;
	s7 =	simm.s32 @p2 $0x1082  }
0x22: {  	[simem:s7], [sflag:s8] =	dma.local @!p0 [hbm:s6], $0xF7A  }
0x23: {  	s9 =	sor.u32 $0xD0000000, s2;
	s6 =	simm.s32 $0x108;
	_ =	swait.ge @!p0 [sflag:s8], $0x0  }
0x24: {  	s3 =	sadd.s32 $0x88, s3;
	s6 =	simm.s32 @!p1 $0x1082;
	[sflag:s4] =	ssyncset.s32 $0xFFFFF086  }
0x25: {  	[simem:s6], [sflag:s4] =	dma.local [hbm:s3], $0xF7A  }
0x26: {  	[smem:$0x3F8B] =	sst s1;
	(tag) =	ssettag s2;
	_ =	strace s9  }
0x27: {  	s1 =	sld [smem:$0x3F9B]  }
0x28: {  	s2 =	sld [smem:$0x3F9C]  }
0x29: {  	s4 =	sld [smem:$0x3F9E]  }
0x2a: {  	p0 =	seq.s32 s5, $0x0;
	s5 =	sld [smem:$0x3F9F]  }
0x2b: {  	s6 =	sld [smem:$0x3FA0]  }
0x2c: {  	s7 =	sld [smem:$0x3FA1]  }
0x2d: {  	s3 =	simm.s32 $0x108;
	s8 =	sld [smem:$0x3FA2]  }
0x2e: {  	s3 =	simm.s32 @!p0 $0x1082;
	s9 =	sld [smem:$0x3FA3]  }
0x2f: {  	lr =	sadd.s32 s0, s3;
	s0 =	sld [smem:$0x3F9A]  }
0x30: {  	s3 =	sld [smem:$0x3F9D]  }
0x31: {  	[smem:$0x3FA6] =	sst s10  }
0x32: {  	s10 =	sld [smem:$0x3FA4];
	_ =	sdelay $0x3  }
0x33: {  	p0 =	seq.s32 s10, $0x1;
	s10 =	sld [smem:$0x3FA6];
	_ =	sdelay $0x3  }
0x34: {  	[smem:$0x3FA6] =	sst s10  }
0x35: {  	s10 =	sld [smem:$0x3FA5];
	_ =	sdelay $0x3  }
0x36: {  	p1 =	seq.s32 s10, $0x1;
	s10 =	sld [smem:$0x3FA6];
	_ =	sdelay $0x3  }
0x37: {  	[smem:$0x3FA6] =	sst s10  }
0x38: {  	s10 =	sld [smem:$0x3FA7]  }
0x39: {  	_ = 	snop;
	(pc) =	sbr.ind lr, $3  }
0x3a: {  	_ = 	snop  }
0x3b: {  	_ = 	snop  }
0x3c: {  	p2 =	seq.s32 s10, $0x1;
	s10 =	sld [smem:$0x3FA6]  }
0x3d: {  	_ =	shalt  }
0x3e: {  	_ =	shalt  }
0x3f: {  	_ =	shalt  }
0x40: {  	_ =	shalt  }
0x41: {  	_ =	shalt  }
0x42: {  	_ =	shalt  }
0x43: {  	_ =	shalt  }
0x44: {  	_ =	shalt  }
0x45: {  	_ =	shalt  }
0x46: {  	_ =	shalt  }
0x47: {  	_ =	shalt  }
0x48: {  	_ =	shalt  }
0x49: {  	_ =	shalt  }
0x4a: {  	_ =	shalt  }
0x4b: {  	_ =	shalt  }
0x4c: {  	_ =	shalt  }
0x4d: {  	_ =	shalt  }
0x4e: {  	_ =	shalt  }
0x4f: {  	_ =	shalt  }
0x50: {  	_ =	shalt  }
0x51: {  	_ =	shalt  }
0x52: {  	_ =	shalt  }
0x53: {  	_ =	shalt  }
0x54: {  	_ =	shalt  }
0x55: {  	_ =	shalt  }
0x56: {  	_ =	shalt  }
0x57: {  	_ =	shalt  }
0x58: {  	_ =	shalt  }
0x59: {  	_ =	shalt  }
0x5a: {  	_ =	shalt  }
0x5b: {  	_ =	shalt  }
0x5c: {  	_ =	shalt  }
0x5d: {  	_ =	shalt  }
0x5e: {  	_ =	shalt  }
0x5f: {  	_ =	shalt  }
0x60: {  	_ =	shalt  }
0x61: {  	_ =	shalt  }
0x62: {  	_ =	shalt  }
0x63: {  	_ =	shalt  }
0x64: {  	_ =	shalt  }
0x65: {  	_ =	shalt  }
0x66: {  	_ =	shalt  }
0x67: {  	_ =	shalt  }
0x68: {  	_ =	shalt  }
0x69: {  	_ =	shalt  }
0x6a: {  	_ =	shalt  }
0x6b: {  	_ =	shalt  }
0x6c: {  	_ =	shalt  }
0x6d: {  	_ =	shalt  }
0x6e: {  	_ =	shalt  }
0x6f: {  	_ =	shalt  }
0x70: {  	_ =	shalt  }
0x71: {  	_ =	shalt  }
0x72: {  	_ =	shalt  }
0x73: {  	_ =	shalt  }
0x74: {  	_ =	shalt  }
0x75: {  	_ =	shalt  }
0x76: {  	_ =	shalt  }
0x77: {  	_ =	shalt  }
0x78: {  	_ =	shalt  }
0x79: {  	_ =	shalt  }
0x7a: {  	_ =	shalt  }
0x7b: {  	_ =	shalt  }
0x7c: {  	_ =	shalt  }
0x7d: {  	_ =	shalt  }
0x7e: {  	_ =	shalt  }
0x7f: {  	_ =	shalt  }
0x80: {  	_ =	shalt  }
0x81: {  	_ =	shalt  }
0x82: {  	_ =	shalt  }
0x83: {  	_ =	shalt  }
0x84: {  	_ =	shalt  }
0x85: {  	_ =	shalt  }
0x86: {  	_ =	shalt  }
0x87: {  	_ =	shalt  }
.Lfunc_end0:
.L_simem_size_0:
called_computation_lowered:
.L_overlay_start_0:
0x88: {  	s2 =	sld [smem:$0x3FD9]  }
0x89: {  	s3 =	sld [smem:$0x3FFE];
	_ =	sdelay $0x1  }
0x8a: {  	s1 =	srdreg.scid  }
0x8b: {  	s0 =	sand.u32 $0x1, s1  }
0x8c: {  	s15 =	sshll.u32 s0, $0xA;
	s2 =	sadd.s32 s3, s2  }
0x8d: {  	s2 =	sadd.s32 s2, s15  }
0x8e: {  	[smem:$0x3FB2] =	sst s2  }
0x8f: {  	_ = 	snop  }
0x90: {  	s2 =	sld [smem:$0x3FD0];
	_ =	sdelay $0x2  }
0x91: {  	s4 =	simm.s32 $0xB;
	s16 =	simm.s32 $0x10  }
0x92: {  	[smem:s16], [sflag:s4] =	dma.local [hbm:s2], $0x1  }
0x93: {  	_ =	swait.eq [sflag:s4], $0x1  }
0x94: {  	[sflag:s4] =	ssyncset.done $0x0  }
0x95: {  	s17 =	sld [smem:$0x10];
	[sflag:s4] =	ssyncadd.s32 $0xFFFFFFFF  }
0x96: {  	s18 =	sld [smem:$0x13];
	(tm) =	ssettm $0x1  }
0x97: {  	s19 =	sld [smem:$0x3FFB];
	_ =	sdelay $0x3  }
0x98: {  	_ =	strace s19  }
0x99: {  	s2 =	sld [smem:$0x3FFC];
	_ =	sdelay $0x3  }
0x9a: {  	_ =	strace s2  }
0x9b: {  	s2 =	sld [smem:$0x3FFD];
	_ =	sdelay $0x3  }
0x9c: {  	_ =	strace s2  }
0x9d: {  	_ =	strace $0x8FFFFFFF  }
0x9e: {  	s20 =	sld [smem:$0x3FDB];
	_ =	sdelay $0x1  }
0x9f: {  	s5 =	simm.s32 $_scs_section_size  }
0xa0: {  	s6 =	simm.s32 $_size__tile_overlayer_lowered;
	s7 =	simm.s32 $_tile_overlayer_lowered  }
0xa1: {  	s8 =	simm.s32 $0x1BFF;
	s21 =	sshll.u32 s7, $0x1;
	s5 =	sadd.s32 s5, s20  }
0xa2: {  	s22 =	simm.s32 $0x0;
	s6 =	sshll.u32 s6, $0x1;
	s7 =	sadd.s32 s21, s5  }
0xa3: {  	[timem:s22], [sflag:s8] =	dma.local [hbm:s7], s6  }
0xa4: {  	_ =	swait.ge [sflag:s8], s6  }
0xa5: {  	s6 =	ssub.s32 $0x0, s6;
	[sflag:s8] =	ssyncset.done $0x0  }
0xa6: {  	[sflag:s8] =	ssyncadd.s32 s6;
	_ =	sdelay $0x1  }
0xa7: {  	s23 =	simm.s32 $0x1B8B  }
0xa8: {  	_ =	swait.ge [sflag:s23], $0x1  }
0xa9: {  	[sflag:s23] =	ssyncset.done $0x0  }
0xaa: {  	[sflag:s23] =	ssyncadd.s32 $0xFFFFFFFF  }
0xab: {  	s6 =	sld [smem:$0x0]  }
0xac: {  	s7 =	sand.u32 $0xFFFFFFFE, s1  }
0xad: {  	p0 =	sne.s32 s1, s7  }
0xae: {  	s7 =	sshll.u32 @p0 s7, $0xE  }
0xaf: {  	s7 =	sadd.s32 @p0 $0x11B8D, s7;
	s8 =	sshll.u32 @p0 s6, $0x11  }
0xb0: {  	s7 =	sor.u32 @p0 s8, s7  }
0xb1: {  	[sflag:s7] =	ssyncadd.remote.s32 @p0 $0x1;
	_ =	sdelay $0x1  }
0xb2: {  	s7 =	simm.s32 @p0 $0x1B8D  }
0xb3: {  	_ =	swait.eq @p0 [sflag:s7], $0x1  }
0xb4: {  	[sflag:s7] =	ssyncadd.s32 @p0 $0xFFFFFFFF  }
0xb5: {  	s8 =	sshll.u32 @!p0 s1, $0xE  }
0xb6: {  	s8 =	sor.u32 @!p0 $0x4000, s8;
	s7 =	simm.s32 @!p0 $0x1B8D  }
0xb7: {  	s6 =	sshll.u32 @!p0 s6, $0x11;
	s8 =	sadd.s32 @!p0 $0x11B8D, s8;
	_ =	swait.eq @!p0 [sflag:s7], $0x1  }
0xb8: {  	s6 =	sor.u32 @!p0 s6, s8;
	[sflag:s7] =	ssyncadd.s32 @!p0 $0xFFFFFFFF  }
0xb9: {  	s25 =	simm.s32 $0x1B8E;
	s24 =	sld [smem:$0x3FFE];
	[sflag:s6] =	ssyncadd.remote.s32 @!p0 $0x1  }
0xba: {  	s26 =	simm.s32 $execute0_lowered;
	[smem:$0x3FD2] =	sst s25  }
0xbb: {  	s7 =	sshll.u32 s26, $0x1;
	_ =	strace $0x80000049;
	[dreg:$0x1] =	wrdreg $0xFFFFFFFF  }
0xbc: {  	s28 =	simm.s32 $_size_execute0_lowered;
	s5 =	sadd.s32 s5, s7;
	[dreg:$0x0] =	wrdreg $0x0  }
0xbd: {  	s7 =	sshll.u32 s28, $0x1;
	[dreg:$0x2] =	wrdreg s5  }
0xbe: {  	[dreg:$0x3] =	wrdreg s7  }
0xbf: {  	[dreg:$0x4] =	wrdreg $0xC0  }
0xc0: {  	_ =	task [dreg:s22], $0x5FFFF  }
0xc1: {  	[dreg:$0x1] =	wrdreg $0xFFFFFFFF  }
0xc2: {  	[dreg:$0x0] =	wrdreg $0x60  }
0xc3: {  	[dreg:$0x2] =	wrdreg s17  }
0xc4: {  	[dreg:$0x3] =	wrdreg s18  }
0xc5: {  	[dreg:$0x4] =	wrdreg s24  }
0xc6: {  	[dreg:$0x5] =	wrdreg $0x9  }
0xc7: {  	_ =	task.clear_ibuf [dreg:s22], $0x6FFFF;
	_ =	strace $0x90000049  }
0xc8: {  	s29 =	simm.s32 $0x9;
	_ =	strace $0x8000004B  }
0xc9: {  	_ =	swait.ge [sflag:s29], $0x1  }
0xca: {  	[sflag:s29] =	ssyncadd.s32 $0xFFFFFFFF  }
0xcb: {  	_ =	strace $0x9000004B  }
0xcc: {  	_ =	sfence  }
0xcd: {  	s30 =	sld [smem:$0x0];
	_ =	sdelay $0x2  }
0xce: {  	s31 =	sshll.u32 s1, $0xD;
	s1 =	sshrl.u32 s1, $0x2  }
0xcf: {  	s4 =	sand.u32 $0x4000, s31;
	s1 =	sadd.s32 s1, s30  }
0xd0: {  	s0 =	sor.u32 s4, s0;
	s1 =	sshll.u32 s1, $0x11  }
0xd1: {  	s0 =	sor.u32 s1, s0  }
0xd2: {  	s0 =	sadd.s32 $0x8F2B, s0  }
0xd3: {  	[sflag:s0] =	ssyncadd.remote.s32 $0x1  }
0xd4: {  	_ =	sfence.sel $0xFFFF  }
0xd5: {  	[dreg:$0x0] =	wrdreg $0xFFFFFFFF;
	(pc) =	sbr.abs _section_cstart, $3  }
0xd6: {  	[dreg:$0x1] =	wrdreg $0xFFFFFFFF  }
0xd7: {  	_ =	task.clear_ibuf [dreg:s22], $0x2FFFF;
	_ =	strace $0x9FFFFFFF  }
0xd8: {  	(tm) =	ssettm $0x7FFFFFFF  }
0xd9: {  	_ =	shalt  }
tec
execute0_lowered:
.L_overlay_start_1:
0x0: {  	(tag) =	ssettag $0x1  }
0x1: {  	s1 =	rddreg [dreg:$0x0];
	s2 =	srdreg.scid  }
0x2: {  	s4 =	rddreg [dreg:$0x1];
	s0 =	stileid.u32;
	s16 =	sand.u32 $0x1, s2  }
0x3: {  	s10 =	rddreg [dreg:$0x2];
	s5 =	sshll.u32 s0, $0xB;
	s6 =	sshll.u32 s16, $0xA  }
0x4: {  	s3 =	simm.s32 $0x0;
	s2 =	rddreg [dreg:$0x3];
	s11 =	sor.u32 s6, s5  }
0x5: {  	[smem:$0x7FF] =	sst s3;
	s5 =	sshrl.u32 s11, $0x3  }
0x6: {  	_ =	strace $0x8000004A;
	s5 =	sadd.s32 s4, s5;
	s4 =	simm.s32 $0x3  }
0x7: {  	[tilespmem:s3], [sflag:$0x3] =	stream.linear.gather [hbm4b:s5+s3], $0x400, $0x38;
	[tilespmem:$0x10400] =	vst v63  }
0x8: {  	_ =	swait.ge [sflag:s4], $0x400  }
0x9: {  	[sflag:s4] =	ssyncset.done $0x0  }
0xa: {  	s7 =	simm.s32 $0x400;
	s6 =	simm.s32 $0x100;
	[sflag:s4] =	ssyncadd.s32 $0xFFFFFC00  }
0xb: {  	[tilespmem:s7], [sflag:$0x1] =	stream.indirect.gather [hbm4b:s1+s6], $0x80, s3, s6, $0xb8;
	[tilespmem:$0x10400] =	vst v63  }
0xc: {  	s8 =	simm.s32 $0x8400;
	s9 =	simm.s32 $0x1  }
0xd: {  	[tilespmem:s8], [sflag:$0x2] =	stream.indirect.gather [hbm4b:s1+s6], $0x80, s6, s6, $0xb8;
	[tilespmem:$0x10400] =	vst v63  }
0xe: {  	s11 =	sshll.u32 s11, $0x4;
	_ =	swait.ge [sflag:s9], $0x8000  }
0xf: {  	s17 =	sadd.s32 s11, s10;
	[sflag:s9] =	ssyncset.done $0x0  }
0x10: {  	s10 =	sadd.s32 $0x83800, s17;
	[sflag:s9] =	ssyncadd.s32 $0xFFFF8000  }
0x11: {  	[hbm4b:s10+s3] =	stream.linear.scatter [tilespmem:s7], [sflag:$0x3], $0x8000, $0x38;
	[tilespmem:$0x10400] =	vst v63  }
0x12: {  	_ =	swait.ge [sflag:s4], $0x8000  }
0x13: {  	[sflag:s4] =	ssyncset.done $0x0  }
0x14: {  	s12 =	simm.s32 $0x2;
	s11 =	simm.s32 $0x200;
	[sflag:s4] =	ssyncadd.s32 $0xFFFF8000  }
0x15: {  	[tilespmem:s7], [sflag:$0x1] =	stream.indirect.gather [hbm4b:s1+s6], $0x80, s11, s6, $0xb8;
	[tilespmem:$0x10400] =	vst v63  }
0x16: {  	_ =	swait.ge [sflag:s12], $0x8000  }
0x17: {  	[sflag:s12] =	ssyncset.done $0x0  }
0x18: {  	s13 =	sadd.s32 $0x84800, s17;
	[sflag:s12] =	ssyncadd.s32 $0xFFFF8000  }
0x19: {  	[hbm4b:s13+s3] =	stream.linear.scatter [tilespmem:s8], [sflag:$0x3], $0x8000, $0x38;
	[tilespmem:$0x10400] =	vst v63  }
0x1a: {  	_ =	swait.ge [sflag:s4], $0x8000  }
0x1b: {  	[sflag:s4] =	ssyncset.done $0x0  }
0x1c: {  	s14 =	simm.s32 $0x300;
	[sflag:s4] =	ssyncadd.s32 $0xFFFF8000  }
0x1d: {  	[tilespmem:s8], [sflag:$0x2] =	stream.indirect.gather [hbm4b:s1+s6], $0x80, s14, s6, $0xb8;
	[tilespmem:$0x10400] =	vst v63  }
0x1e: {  	_ =	swait.ge [sflag:s9], $0x8000  }
0x1f: {  	[sflag:s9] =	ssyncset.done $0x0  }
0x20: {  	s16 =	ssub.s32 $0x2, s16;
	s15 =	sadd.s32 $0x85800, s17;
	[sflag:s9] =	ssyncadd.s32 $0xFFFF8000  }
0x21: {  	[hbm4b:s15+s3] =	stream.linear.scatter [tilespmem:s7], [sflag:$0x3], $0x8000, $0x38;
	[tilespmem:$0x10400] =	vst v63  }
0x22: {  	s18 =	sshrl.u32 s16, $0x1;
	_ =	swait.ge [sflag:s4], $0x8000  }
0x23: {  	s18 =	ssub.s32 s16, s18;
	[sflag:s4] =	ssyncset.done $0x0  }
0x24: {  	s31 =	smax.u32 s18, $0x1;
	[sflag:s4] =	ssyncadd.s32 $0xFFFF8000  }
0x25: {  	p0 =	sne.s32 s31, $0x1;
	_ =	swait.ge [sflag:s12], $0x8000  }
.Ltmp0:
0x26: {  	[sflag:s12] =	ssyncset.done $0x0;
	(pc) =	sbr.rel @!p0 .LBB2_2-.Ltmp0, $4  }
0x27: {  	s16 =	sadd.s32 $0x86800, s17;
	[sflag:s12] =	ssyncadd.s32 $0xFFFF8000  }
0x28: {  	[hbm4b:s16+s3] =	stream.linear.scatter [tilespmem:s8], [sflag:$0x3], $0x8000, $0x38;
	[tilespmem:$0x10400] =	vst v63  }
0x29: {  	_ =	swait.ge [sflag:s4], $0x8000  }
0x2a: {  	s17 =	sadd.s32 $0xFFFFFFFF, s31;
	[sflag:s4] =	ssyncset.done $0x0  }
.LBB2_1:
0x2b: {  	p0 =	sne.s32 s17, $0x1;
	s17 =	sadd.s32 $0xFFFFFFFF, s17;
	[sflag:s4] =	ssyncadd.s32 $0xFFFF8000  }
0x2c: {  	[tilespmem:s3], [sflag:$0x3] =	stream.linear.gather [hbm4b:s5+s3], $0x400, $0x38;
	[tilespmem:$0x10400] =	vst v63  }
0x2d: {  	_ =	swait.ge [sflag:s4], $0x400  }
0x2e: {  	[sflag:s4] =	ssyncset.done $0x0  }
0x2f: {  	[sflag:s4] =	ssyncadd.s32 $0xFFFFFC00  }
0x30: {  	[tilespmem:s7], [sflag:$0x1] =	stream.indirect.gather [hbm4b:s1+s6], $0x80, s3, s6, $0xb8;
	[tilespmem:$0x10400] =	vst v63  }
0x31: {  	_ = 	snop  }
0x32: {  	[tilespmem:s8], [sflag:$0x2] =	stream.indirect.gather [hbm4b:s1+s6], $0x80, s6, s6, $0xb8;
	[tilespmem:$0x10400] =	vst v63  }
0x33: {  	_ =	swait.ge [sflag:s9], $0x8000  }
0x34: {  	[sflag:s9] =	ssyncset.done $0x0  }
0x35: {  	[sflag:s9] =	ssyncadd.s32 $0xFFFF8000  }
0x36: {  	[hbm4b:s10+s3] =	stream.linear.scatter [tilespmem:s7], [sflag:$0x3], $0x8000, $0x38;
	[tilespmem:$0x10400] =	vst v63  }
0x37: {  	_ =	swait.ge [sflag:s4], $0x8000  }
0x38: {  	[sflag:s4] =	ssyncset.done $0x0  }
0x39: {  	[sflag:s4] =	ssyncadd.s32 $0xFFFF8000  }
0x3a: {  	[tilespmem:s7], [sflag:$0x1] =	stream.indirect.gather [hbm4b:s1+s6], $0x80, s11, s6, $0xb8;
	[tilespmem:$0x10400] =	vst v63  }
0x3b: {  	_ =	swait.ge [sflag:s12], $0x8000  }
0x3c: {  	[sflag:s12] =	ssyncset.done $0x0  }
0x3d: {  	[sflag:s12] =	ssyncadd.s32 $0xFFFF8000  }
0x3e: {  	[hbm4b:s13+s3] =	stream.linear.scatter [tilespmem:s8], [sflag:$0x3], $0x8000, $0x38;
	[tilespmem:$0x10400] =	vst v63  }
0x3f: {  	_ =	swait.ge [sflag:s4], $0x8000  }
0x40: {  	[sflag:s4] =	ssyncset.done $0x0  }
0x41: {  	[sflag:s4] =	ssyncadd.s32 $0xFFFF8000  }
0x42: {  	[tilespmem:s8], [sflag:$0x2] =	stream.indirect.gather [hbm4b:s1+s6], $0x80, s14, s6, $0xb8;
	[tilespmem:$0x10400] =	vst v63  }
0x43: {  	_ =	swait.ge [sflag:s9], $0x8000  }
0x44: {  	[sflag:s9] =	ssyncset.done $0x0  }
0x45: {  	[sflag:s9] =	ssyncadd.s32 $0xFFFF8000  }
0x46: {  	[hbm4b:s15+s3] =	stream.linear.scatter [tilespmem:s7], [sflag:$0x3], $0x8000, $0x38;
	[tilespmem:$0x10400] =	vst v63  }
0x47: {  	_ =	swait.ge [sflag:s4], $0x8000  }
0x48: {  	[sflag:s4] =	ssyncset.done $0x0  }
0x49: {  	[sflag:s4] =	ssyncadd.s32 $0xFFFF8000  }
0x4a: {  	_ =	swait.ge [sflag:s12], $0x8000  }
.Ltmp1:
0x4b: {  	[sflag:s12] =	ssyncset.done $0x0;
	(pc) =	sbr.rel @p0 .LBB2_1-.Ltmp1, $4  }
0x4c: {  	[sflag:s12] =	ssyncadd.s32 $0xFFFF8000  }
0x4d: {  	[hbm4b:s16+s3] =	stream.linear.scatter [tilespmem:s8], [sflag:$0x3], $0x8000, $0x38;
	[tilespmem:$0x10400] =	vst v63  }
0x4e: {  	_ =	swait.ge [sflag:s4], $0x8000  }
0x4f: {  	[sflag:s4] =	ssyncset.done $0x0  }
.LBB2_2:
0x50: {  	[sflag:s4] =	ssyncadd.s32 $0xFFFF8000  }
0x51: {  	_ =	sfence.sel $0x180000  }
0x52: {  	[bflag:$0x0] =	sbarrier.arrive $0xFFFF  }
0x53: {  	p0 =	sne.s32 s0, $0x0;
	_ =	strace $0x9000004A  }
0x54: {  	s0 =	sadd.s32 @!p0 $0x100000, s2;
	[bflag:$0x2] =	sbarrier.arrive $0xFFFF  }
0x55: {  	[sflag:s0] =	ssyncadd.tile.s32 @!p0 $0x1;
	_ =	shalt  }
.Lfunc_end2:
_tile_overlayer_lowered:
.L_overlay_start_2:
0x56: {  	(tag) =	ssettag $0x2  }
0x57: {  	s0 =	rddreg [dreg:$0x0];
	s2 =	stileid.u32  }
0x58: {  	s1 =	rddreg [dreg:$0x1];
	p0 =	sne.s32 s2, $0x0  }
0x59: {  	s3 =	rddreg [dreg:$0x2];
	[bflag:$0x3] =	sbarrier.arrive $0xFFFF;
	s2 =	simm.s32 @!p0 $0x1C03  }
0x5a: {  	[timem:s3], [sflag:s2] =	dma.local @!p0 [hbm:s0], s1  }
0x5b: {  	s0 =	simm.s32 @!p0 $0x3  }
0x5c: {  	_ =	swait.ge @!p0 [sflag:s0], s1  }
0x5d: {  	s1 =	ssub.s32 @!p0 $0x0, s1;
	[sflag:s0] =	ssyncset.done @!p0 $0x0  }
0x5e: {  	[sflag:s0] =	ssyncadd.s32 @!p0 s1  }
0x5f: {  	[bflag:$0x3] =	sbarrier.arrive $0xFFFF  }
0x60: {  	_ =	shalt  }

// kernel: kernel.9.cloned.1.call-start
scs
__scs_entry_jumppad:
0x0: {  	(pc) =	sbr.rel $0x88, $3  }
0x1: {  	(tag) =	ssettag $0x0;
	lr =	simm.s32 $0x1  }
0x2: {  	[smem:$0x3F8B] =	sst lr;
	_ =	strace $0xD0000000  }
0x3: {  	_ = 	snop  }
0x4: {  	_ = 	snop  }
0x5: {  	_ = 	snop  }
0x6: {  	_ = 	snop  }
0x7: {  	_ = 	snop  }
__scs_overlays_trampoline_lowered:
0x8: {  	[smem:$0x3F9A] =	sst s0  }
0x9: {  	[smem:$0x3F9B] =	sst s1  }
0xa: {  	[smem:$0x3F9C] =	sst s2  }
0xb: {  	[smem:$0x3F9D] =	sst s3  }
0xc: {  	[smem:$0x3F9E] =	sst s4  }
0xd: {  	[smem:$0x3F9F] =	sst s5  }
0xe: {  	[smem:$0x3FA0] =	sst s6  }
0xf: {  	[smem:$0x3FA1] =	sst s7  }
0x10: {  	[smem:$0x3FA2] =	sst s8  }
0x11: {  	[smem:$0x3FA3] =	sst s9;
	s0 =	simm.s32 @!p0 $0x0  }
0x12: {  	s1 =	sld [smem:$0x3F89];
	s0 =	simm.s32 @p0 $0x1  }
0x13: {  	[smem:$0x3FA4] =	sst s0;
	s0 =	simm.s32 @!p1 $0x0  }
0x14: {  	s2 =	sld [smem:$0x3F88];
	s0 =	simm.s32 @p1 $0x1  }
0x15: {  	[smem:$0x3FA5] =	sst s0;
	s0 =	simm.s32 @!p2 $0x0  }
0x16: {  	s3 =	sld [smem:$0x3FDB];
	s0 =	simm.s32 @p2 $0x1  }
0x17: {  	s4 =	simm.s32 $0x1BF5;
	[smem:$0x3FA7] =	sst s0  }
0x18: {  	s0 =	sld [smem:$0x3F8A];
	_ =	swait.ge [sflag:s4], $0x0  }
0x19: {  	s7 =	sld [smem:$0x3F8B]  }
0x1a: {  	s8 =	sadd.s32 $0xFFFFE003, lr  }
0x1b: {  	s9 =	sadd.s32 $0xFFFFFEF7, lr;
	s5 =	simm.s32 $0xFFFFFFFF;
	p2 =	slt.u32 s8, $0xFFFFF086  }
0x1c: {  	p1 =	slt.u32 s9, $0xF7A;
	s5 =	simm.s32 @!p2 $0x0  }
0x1d: {  	s5 =	simm.s32 @p1 $0x1;
	p0 =	seq.s32 s7, s2  }
0x1e: {  	s7 =	smul.u32 @!p0 $0xF7A, s2;
	p2 =	seq.s32 @!p0 s5, $0x0  }
0x1f: {  	s9 =	smul.u32 $0xF7A, s1;
	s8 =	simm.s32 @!p0 $0x1BF5;
	p2 =	por !p2, p0  }
0x20: {  	[sflag:s8] =	ssyncset.s32 @!p0 $0xFFFFF086;
	s6 =	sadd.s32 @!p0 s3, s7;
	s7 =	simm.s32 @!p0 $0x108  }
0x21: {  	s3 =	sadd.s32 s3, s9;
	s6 =	sadd.s32 @!p0 $0x88, s6;
	s7 =	simm.s32 @p2 $0x1082  }
0x22: {  	[simem:s7], [sflag:s8] =	dma.local @!p0 [hbm:s6], $0xF7A  }
0x23: {  	s9 =	sor.u32 $0xD0000000, s2;
	s6 =	simm.s32 $0x108;
	_ =	swait.ge @!p0 [sflag:s8], $0x0  }
0x24: {  	s3 =	sadd.s32 $0x88, s3;
	s6 =	simm.s32 @!p1 $0x1082;
	[sflag:s4] =	ssyncset.s32 $0xFFFFF086  }
0x25: {  	[simem:s6], [sflag:s4] =	dma.local [hbm:s3], $0xF7A  }
0x26: {  	[smem:$0x3F8B] =	sst s1;
	(tag) =	ssettag s2;
	_ =	strace s9  }
0x27: {  	s1 =	sld [smem:$0x3F9B]  }
0x28: {  	s2 =	sld [smem:$0x3F9C]  }
0x29: {  	s4 =	sld [smem:$0x3F9E]  }
0x2a: {  	p0 =	seq.s32 s5, $0x0;
	s5 =	sld [smem:$0x3F9F]  }
0x2b: {  	s6 =	sld [smem:$0x3FA0]  }
0x2c: {  	s7 =	sld [smem:$0x3FA1]  }
0x2d: {  	s3 =	simm.s32 $0x108;
	s8 =	sld [smem:$0x3FA2]  }
0x2e: {  	s3 =	simm.s32 @!p0 $0x1082;
	s9 =	sld [smem:$0x3FA3]  }
0x2f: {  	lr =	sadd.s32 s0, s3;
	s0 =	sld [smem:$0x3F9A]  }
0x30: {  	s3 =	sld [smem:$0x3F9D]  }
0x31: {  	[smem:$0x3FA6] =	sst s10  }
0x32: {  	s10 =	sld [smem:$0x3FA4];
	_ =	sdelay $0x3  }
0x33: {  	p0 =	seq.s32 s10, $0x1;
	s10 =	sld [smem:$0x3FA6];
	_ =	sdelay $0x3  }
0x34: {  	[smem:$0x3FA6] =	sst s10  }
0x35: {  	s10 =	sld [smem:$0x3FA5];
	_ =	sdelay $0x3  }
0x36: {  	p1 =	seq.s32 s10, $0x1;
	s10 =	sld [smem:$0x3FA6];
	_ =	sdelay $0x3  }
0x37: {  	[smem:$0x3FA6] =	sst s10  }
0x38: {  	s10 =	sld [smem:$0x3FA7]  }
0x39: {  	_ = 	snop;
	(pc) =	sbr.ind lr, $3  }
0x3a: {  	_ = 	snop  }
0x3b: {  	_ = 	snop  }
0x3c: {  	p2 =	seq.s32 s10, $0x1;
	s10 =	sld [smem:$0x3FA6]  }
0x3d: {  	_ =	shalt  }
0x3e: {  	_ =	shalt  }
0x3f: {  	_ =	shalt  }
0x40: {  	_ =	shalt  }
0x41: {  	_ =	shalt  }
0x42: {  	_ =	shalt  }
0x43: {  	_ =	shalt  }
0x44: {  	_ =	shalt  }
0x45: {  	_ =	shalt  }
0x46: {  	_ =	shalt  }
0x47: {  	_ =	shalt  }
0x48: {  	_ =	shalt  }
0x49: {  	_ =	shalt  }
0x4a: {  	_ =	shalt  }
0x4b: {  	_ =	shalt  }
0x4c: {  	_ =	shalt  }
0x4d: {  	_ =	shalt  }
0x4e: {  	_ =	shalt  }
0x4f: {  	_ =	shalt  }
0x50: {  	_ =	shalt  }
0x51: {  	_ =	shalt  }
0x52: {  	_ =	shalt  }
0x53: {  	_ =	shalt  }
0x54: {  	_ =	shalt  }
0x55: {  	_ =	shalt  }
0x56: {  	_ =	shalt  }
0x57: {  	_ =	shalt  }
0x58: {  	_ =	shalt  }
0x59: {  	_ =	shalt  }
0x5a: {  	_ =	shalt  }
0x5b: {  	_ =	shalt  }
0x5c: {  	_ =	shalt  }
0x5d: {  	_ =	shalt  }
0x5e: {  	_ =	shalt  }
0x5f: {  	_ =	shalt  }
0x60: {  	_ =	shalt  }
0x61: {  	_ =	shalt  }
0x62: {  	_ =	shalt  }
0x63: {  	_ =	shalt  }
0x64: {  	_ =	shalt  }
0x65: {  	_ =	shalt  }
0x66: {  	_ =	shalt  }
0x67: {  	_ =	shalt  }
0x68: {  	_ =	shalt  }
0x69: {  	_ =	shalt  }
0x6a: {  	_ =	shalt  }
0x6b: {  	_ =	shalt  }
0x6c: {  	_ =	shalt  }
0x6d: {  	_ =	shalt  }
0x6e: {  	_ =	shalt  }
0x6f: {  	_ =	shalt  }
0x70: {  	_ =	shalt  }
0x71: {  	_ =	shalt  }
0x72: {  	_ =	shalt  }
0x73: {  	_ =	shalt  }
0x74: {  	_ =	shalt  }
0x75: {  	_ =	shalt  }
0x76: {  	_ =	shalt  }
0x77: {  	_ =	shalt  }
0x78: {  	_ =	shalt  }
0x79: {  	_ =	shalt  }
0x7a: {  	_ =	shalt  }
0x7b: {  	_ =	shalt  }
0x7c: {  	_ =	shalt  }
0x7d: {  	_ =	shalt  }
0x7e: {  	_ =	shalt  }
0x7f: {  	_ =	shalt  }
0x80: {  	_ =	shalt  }
0x81: {  	_ =	shalt  }
0x82: {  	_ =	shalt  }
0x83: {  	_ =	shalt  }
0x84: {  	_ =	shalt  }
0x85: {  	_ =	shalt  }
0x86: {  	_ =	shalt  }
0x87: {  	_ =	shalt  }
.Lfunc_end0:
.L_simem_size_0:
called_computation.1_lowered:
.L_overlay_start_0:
0x88: {  	s2 =	sld [smem:$0x3FD9]  }
0x89: {  	s3 =	sld [smem:$0x3FFE];
	_ =	sdelay $0x1  }
0x8a: {  	s1 =	srdreg.scid  }
0x8b: {  	s0 =	sand.u32 $0x1, s1  }
0x8c: {  	s14 =	sshll.u32 s0, $0xA;
	s2 =	sadd.s32 s3, s2  }
0x8d: {  	s2 =	sadd.s32 s2, s14  }
0x8e: {  	[smem:$0x3FB2] =	sst s2  }
0x8f: {  	_ = 	snop  }
0x90: {  	s2 =	sld [smem:$0x3FD0];
	_ =	sdelay $0x2  }
0x91: {  	s15 =	simm.s32 $0xB;
	s4 =	simm.s32 $0x10  }
0x92: {  	[smem:s4], [sflag:s15] =	dma.local [hbm:s2], $0x1  }
0x93: {  	_ =	swait.eq [sflag:s15], $0x1  }
0x94: {  	[sflag:s15] =	ssyncset.done $0x0  }
0x95: {  	s16 =	sld [smem:$0x11];
	[sflag:s15] =	ssyncadd.s32 $0xFFFFFFFF  }
0x96: {  	s17 =	sld [smem:$0x14];
	(tm) =	ssettm $0x1  }
0x97: {  	s18 =	sld [smem:$0x3FFB];
	_ =	sdelay $0x3  }
0x98: {  	_ =	strace s18  }
0x99: {  	s4 =	sld [smem:$0x3FFC];
	_ =	sdelay $0x3  }
0x9a: {  	_ =	strace s4  }
0x9b: {  	s4 =	sld [smem:$0x3FFD];
	_ =	sdelay $0x3  }
0x9c: {  	_ =	strace s4  }
0x9d: {  	_ =	strace $0x8FFFFFFF  }
0x9e: {  	s19 =	sld [smem:$0x3FDB];
	_ =	sdelay $0x1  }
0x9f: {  	s5 =	simm.s32 $_scs_section_size  }
0xa0: {  	s6 =	simm.s32 $_size__tile_overlayer_lowered;
	s7 =	simm.s32 $_tile_overlayer_lowered  }
0xa1: {  	s22 =	simm.s32 $0x1BFF;
	s21 =	sshll.u32 s7, $0x1;
	s4 =	sadd.s32 s5, s19  }
0xa2: {  	s8 =	simm.s32 $0x0;
	s20 =	sshll.u32 s6, $0x1;
	s6 =	sadd.s32 s21, s4  }
0xa3: {  	[timem:s8], [sflag:s22] =	dma.local [hbm:s6], s20  }
0xa4: {  	_ =	swait.ge [sflag:s22], s20  }
0xa5: {  	s5 =	ssub.s32 $0x0, s20;
	[sflag:s22] =	ssyncset.done $0x0  }
0xa6: {  	[sflag:s22] =	ssyncadd.s32 s5;
	_ =	sdelay $0x1  }
0xa7: {  	s23 =	simm.s32 $0x1B8B  }
0xa8: {  	_ =	swait.ge [sflag:s23], $0x1  }
0xa9: {  	[sflag:s23] =	ssyncset.done $0x0  }
0xaa: {  	s25 =	simm.s32 $0x1B8E;
	s24 =	sld [smem:$0x3FFE];
	[sflag:s23] =	ssyncadd.s32 $0xFFFFFFFF  }
0xab: {  	s26 =	simm.s32 $execute0_lowered;
	[smem:$0x3FD2] =	sst s25  }
0xac: {  	s6 =	sshll.u32 s26, $0x1;
	_ =	strace $0x80000046;
	[dreg:$0x1] =	wrdreg $0xFFFFFFFF  }
0xad: {  	s28 =	simm.s32 $_size_execute0_lowered;
	s4 =	sadd.s32 s4, s6;
	[dreg:$0x0] =	wrdreg $0x0  }
0xae: {  	s6 =	sshll.u32 s28, $0x1;
	[dreg:$0x2] =	wrdreg s4  }
0xaf: {  	[dreg:$0x3] =	wrdreg s6  }
0xb0: {  	[dreg:$0x4] =	wrdreg $0xC0  }
0xb1: {  	_ =	task [dreg:s8], $0x5FFFF  }
0xb2: {  	[dreg:$0x1] =	wrdreg $0xFFFFFFFF  }
0xb3: {  	[dreg:$0x0] =	wrdreg $0x60  }
0xb4: {  	[dreg:$0x2] =	wrdreg s16  }
0xb5: {  	[dreg:$0x3] =	wrdreg s17  }
0xb6: {  	[dreg:$0x4] =	wrdreg s24  }
0xb7: {  	[dreg:$0x5] =	wrdreg $0xA  }
0xb8: {  	_ =	task.clear_ibuf [dreg:s8], $0x6FFFF;
	_ =	strace $0x90000046  }
0xb9: {  	s29 =	simm.s32 $0xA;
	_ =	strace $0x80000048  }
0xba: {  	_ =	swait.ge [sflag:s29], $0x1  }
0xbb: {  	[sflag:s29] =	ssyncadd.s32 $0xFFFFFFFF  }
0xbc: {  	_ =	strace $0x90000048  }
0xbd: {  	_ =	sfence  }
0xbe: {  	s30 =	sld [smem:$0x0];
	_ =	sdelay $0x2  }
0xbf: {  	s31 =	sshll.u32 s1, $0xD;
	s1 =	sshrl.u32 s1, $0x2  }
0xc0: {  	s3 =	sand.u32 $0x4000, s31;
	s1 =	sadd.s32 s1, s30  }
0xc1: {  	s0 =	sor.u32 s3, s0;
	s1 =	sshll.u32 s1, $0x11  }
0xc2: {  	s0 =	sor.u32 s1, s0  }
0xc3: {  	s0 =	sadd.s32 $0x8F2B, s0  }
0xc4: {  	[sflag:s0] =	ssyncadd.remote.s32 $0x1  }
0xc5: {  	_ =	sfence.sel $0xFFFF  }
0xc6: {  	[dreg:$0x0] =	wrdreg $0xFFFFFFFF;
	(pc) =	sbr.abs _section_cstart, $3  }
0xc7: {  	[dreg:$0x1] =	wrdreg $0xFFFFFFFF  }
0xc8: {  	_ =	task.clear_ibuf [dreg:s8], $0x2FFFF;
	_ =	strace $0x9FFFFFFF  }
0xc9: {  	(tm) =	ssettm $0x7FFFFFFF  }
tec
execute0_lowered:
.L_overlay_start_1:
0x0: {  	(tag) =	ssettag $0x1  }
0x1: {  	s1 =	rddreg [dreg:$0x0];
	s2 =	srdreg.scid  }
0x2: {  	s4 =	rddreg [dreg:$0x1];
	s0 =	stileid.u32;
	s16 =	sand.u32 $0x1, s2  }
0x3: {  	s10 =	rddreg [dreg:$0x2];
	s5 =	sshll.u32 s0, $0xB;
	s6 =	sshll.u32 s16, $0xA  }
0x4: {  	s3 =	simm.s32 $0x0;
	s2 =	rddreg [dreg:$0x3];
	s11 =	sor.u32 s6, s5  }
0x5: {  	[smem:$0x7FF] =	sst s3;
	s5 =	sshrl.u32 s11, $0x3  }
0x6: {  	_ =	strace $0x80000047;
	s5 =	sadd.s32 s4, s5;
	s4 =	simm.s32 $0x3  }
0x7: {  	[tilespmem:s3], [sflag:$0x3] =	stream.linear.gather [hbm4b:s5+s3], $0x400, $0x38;
	[tilespmem:$0x10400] =	vst v63  }
0x8: {  	_ =	swait.ge [sflag:s4], $0x400  }
0x9: {  	[sflag:s4] =	ssyncset.done $0x0  }
0xa: {  	s7 =	simm.s32 $0x400;
	s6 =	simm.s32 $0x100;
	[sflag:s4] =	ssyncadd.s32 $0xFFFFFC00  }
0xb: {  	[tilespmem:s7], [sflag:$0x1] =	stream.indirect.gather [hbm4b:s1+s6], $0x80, s3, s6, $0xb8;
	[tilespmem:$0x10400] =	vst v63  }
0xc: {  	s8 =	simm.s32 $0x8400;
	s9 =	simm.s32 $0x1  }
0xd: {  	[tilespmem:s8], [sflag:$0x2] =	stream.indirect.gather [hbm4b:s1+s6], $0x80, s6, s6, $0xb8;
	[tilespmem:$0x10400] =	vst v63  }
0xe: {  	s11 =	sshll.u32 s11, $0x4;
	_ =	swait.ge [sflag:s9], $0x8000  }
0xf: {  	s17 =	sadd.s32 s11, s10;
	[sflag:s9] =	ssyncset.done $0x0  }
0x10: {  	s10 =	sadd.s32 $0x3600, s17;
	[sflag:s9] =	ssyncadd.s32 $0xFFFF8000  }
0x11: {  	[hbm4b:s10+s3] =	stream.linear.scatter [tilespmem:s7], [sflag:$0x3], $0x8000, $0x38;
	[tilespmem:$0x10400] =	vst v63  }
0x12: {  	_ =	swait.ge [sflag:s4], $0x8000  }
0x13: {  	[sflag:s4] =	ssyncset.done $0x0  }
0x14: {  	s12 =	simm.s32 $0x2;
	s11 =	simm.s32 $0x200;
	[sflag:s4] =	ssyncadd.s32 $0xFFFF8000  }
0x15: {  	[tilespmem:s7], [sflag:$0x1] =	stream.indirect.gather [hbm4b:s1+s6], $0x80, s11, s6, $0xb8;
	[tilespmem:$0x10400] =	vst v63  }
0x16: {  	_ =	swait.ge [sflag:s12], $0x8000  }
0x17: {  	[sflag:s12] =	ssyncset.done $0x0  }
0x18: {  	s13 =	sadd.s32 $0x4600, s17;
	[sflag:s12] =	ssyncadd.s32 $0xFFFF8000  }
0x19: {  	[hbm4b:s13+s3] =	stream.linear.scatter [tilespmem:s8], [sflag:$0x3], $0x8000, $0x38;
	[tilespmem:$0x10400] =	vst v63  }
0x1a: {  	_ =	swait.ge [sflag:s4], $0x8000  }
0x1b: {  	[sflag:s4] =	ssyncset.done $0x0  }
0x1c: {  	s14 =	simm.s32 $0x300;
	[sflag:s4] =	ssyncadd.s32 $0xFFFF8000  }
0x1d: {  	[tilespmem:s8], [sflag:$0x2] =	stream.indirect.gather [hbm4b:s1+s6], $0x80, s14, s6, $0xb8;
	[tilespmem:$0x10400] =	vst v63  }
0x1e: {  	_ =	swait.ge [sflag:s9], $0x8000  }
0x1f: {  	[sflag:s9] =	ssyncset.done $0x0  }
0x20: {  	s16 =	ssub.s32 $0x2, s16;
	s15 =	sadd.s32 $0x5600, s17;
	[sflag:s9] =	ssyncadd.s32 $0xFFFF8000  }
0x21: {  	[hbm4b:s15+s3] =	stream.linear.scatter [tilespmem:s7], [sflag:$0x3], $0x8000, $0x38;
	[tilespmem:$0x10400] =	vst v63  }
0x22: {  	s18 =	sshrl.u32 s16, $0x1;
	_ =	swait.ge [sflag:s4], $0x8000  }
0x23: {  	s18 =	ssub.s32 s16, s18;
	[sflag:s4] =	ssyncset.done $0x0  }
0x24: {  	s31 =	smax.u32 s18, $0x1;
	[sflag:s4] =	ssyncadd.s32 $0xFFFF8000  }
0x25: {  	p0 =	sne.s32 s31, $0x1;
	_ =	swait.ge [sflag:s12], $0x8000  }
.Ltmp0:
0x26: {  	[sflag:s12] =	ssyncset.done $0x0;
	(pc) =	sbr.rel @!p0 .LBB2_2-.Ltmp0, $4  }
0x27: {  	s16 =	sadd.s32 $0x6600, s17;
	[sflag:s12] =	ssyncadd.s32 $0xFFFF8000  }
0x28: {  	[hbm4b:s16+s3] =	stream.linear.scatter [tilespmem:s8], [sflag:$0x3], $0x8000, $0x38;
	[tilespmem:$0x10400] =	vst v63  }
0x29: {  	_ =	swait.ge [sflag:s4], $0x8000  }
0x2a: {  	s17 =	sadd.s32 $0xFFFFFFFF, s31;
	[sflag:s4] =	ssyncset.done $0x0  }
.LBB2_1:
0x2b: {  	p0 =	sne.s32 s17, $0x1;
	s17 =	sadd.s32 $0xFFFFFFFF, s17;
	[sflag:s4] =	ssyncadd.s32 $0xFFFF8000  }
0x2c: {  	[tilespmem:s3], [sflag:$0x3] =	stream.linear.gather [hbm4b:s5+s3], $0x400, $0x38;
	[tilespmem:$0x10400] =	vst v63  }
0x2d: {  	_ =	swait.ge [sflag:s4], $0x400  }
0x2e: {  	[sflag:s4] =	ssyncset.done $0x0  }
0x2f: {  	[sflag:s4] =	ssyncadd.s32 $0xFFFFFC00  }
0x30: {  	[tilespmem:s7], [sflag:$0x1] =	stream.indirect.gather [hbm4b:s1+s6], $0x80, s3, s6, $0xb8;
	[tilespmem:$0x10400] =	vst v63  }
0x31: {  	_ = 	snop  }
0x32: {  	[tilespmem:s8], [sflag:$0x2] =	stream.indirect.gather [hbm4b:s1+s6], $0x80, s6, s6, $0xb8;
	[tilespmem:$0x10400] =	vst v63  }
0x33: {  	_ =	swait.ge [sflag:s9], $0x8000  }
0x34: {  	[sflag:s9] =	ssyncset.done $0x0  }
0x35: {  	[sflag:s9] =	ssyncadd.s32 $0xFFFF8000  }
0x36: {  	[hbm4b:s10+s3] =	stream.linear.scatter [tilespmem:s7], [sflag:$0x3], $0x8000, $0x38;
	[tilespmem:$0x10400] =	vst v63  }
0x37: {  	_ =	swait.ge [sflag:s4], $0x8000  }
0x38: {  	[sflag:s4] =	ssyncset.done $0x0  }
0x39: {  	[sflag:s4] =	ssyncadd.s32 $0xFFFF8000  }
0x3a: {  	[tilespmem:s7], [sflag:$0x1] =	stream.indirect.gather [hbm4b:s1+s6], $0x80, s11, s6, $0xb8;
	[tilespmem:$0x10400] =	vst v63  }
0x3b: {  	_ =	swait.ge [sflag:s12], $0x8000  }
0x3c: {  	[sflag:s12] =	ssyncset.done $0x0  }
0x3d: {  	[sflag:s12] =	ssyncadd.s32 $0xFFFF8000  }
0x3e: {  	[hbm4b:s13+s3] =	stream.linear.scatter [tilespmem:s8], [sflag:$0x3], $0x8000, $0x38;
	[tilespmem:$0x10400] =	vst v63  }
0x3f: {  	_ =	swait.ge [sflag:s4], $0x8000  }
0x40: {  	[sflag:s4] =	ssyncset.done $0x0  }
0x41: {  	[sflag:s4] =	ssyncadd.s32 $0xFFFF8000  }
0x42: {  	[tilespmem:s8], [sflag:$0x2] =	stream.indirect.gather [hbm4b:s1+s6], $0x80, s14, s6, $0xb8;
	[tilespmem:$0x10400] =	vst v63  }
0x43: {  	_ =	swait.ge [sflag:s9], $0x8000  }
0x44: {  	[sflag:s9] =	ssyncset.done $0x0  }
0x45: {  	[sflag:s9] =	ssyncadd.s32 $0xFFFF8000  }
0x46: {  	[hbm4b:s15+s3] =	stream.linear.scatter [tilespmem:s7], [sflag:$0x3], $0x8000, $0x38;
	[tilespmem:$0x10400] =	vst v63  }
0x47: {  	_ =	swait.ge [sflag:s4], $0x8000  }
0x48: {  	[sflag:s4] =	ssyncset.done $0x0  }
0x49: {  	[sflag:s4] =	ssyncadd.s32 $0xFFFF8000  }
0x4a: {  	_ =	swait.ge [sflag:s12], $0x8000  }
.Ltmp1:
0x4b: {  	[sflag:s12] =	ssyncset.done $0x0;
	(pc) =	sbr.rel @p0 .LBB2_1-.Ltmp1, $4  }
0x4c: {  	[sflag:s12] =	ssyncadd.s32 $0xFFFF8000  }
0x4d: {  	[hbm4b:s16+s3] =	stream.linear.scatter [tilespmem:s8], [sflag:$0x3], $0x8000, $0x38;
	[tilespmem:$0x10400] =	vst v63  }
0x4e: {  	_ =	swait.ge [sflag:s4], $0x8000  }
0x4f: {  	[sflag:s4] =	ssyncset.done $0x0  }
.LBB2_2:
0x50: {  	[sflag:s4] =	ssyncadd.s32 $0xFFFF8000  }
0x51: {  	_ =	sfence.sel $0x180000  }
0x52: {  	[bflag:$0x0] =	sbarrier.arrive $0xFFFF  }
0x53: {  	p0 =	sne.s32 s0, $0x0;
	_ =	strace $0x90000047  }
0x54: {  	s0 =	sadd.s32 @!p0 $0x100000, s2;
	[bflag:$0x2] =	sbarrier.arrive $0xFFFF  }
0x55: {  	[sflag:s0] =	ssyncadd.tile.s32 @!p0 $0x1;
	_ =	shalt  }
.Lfunc_end2:
_tile_overlayer_lowered:
.L_overlay_start_2:
0x56: {  	(tag) =	ssettag $0x2  }
0x57: {  	s0 =	rddreg [dreg:$0x0];
	s2 =	stileid.u32  }
0x58: {  	s1 =	rddreg [dreg:$0x1];
	p0 =	sne.s32 s2, $0x0  }
0x59: {  	s3 =	rddreg [dreg:$0x2];
	[bflag:$0x3] =	sbarrier.arrive $0xFFFF;
	s2 =	simm.s32 @!p0 $0x1C03  }
0x5a: {  	[timem:s3], [sflag:s2] =	dma.local @!p0 [hbm:s0], s1  }
0x5b: {  	s0 =	simm.s32 @!p0 $0x3  }
0x5c: {  	_ =	swait.ge @!p0 [sflag:s0], s1  }
0x5d: {  	s1 =	ssub.s32 @!p0 $0x0, s1;
	[sflag:s0] =	ssyncset.done @!p0 $0x0  }
0x5e: {  	[sflag:s0] =	ssyncadd.s32 @!p0 s1  }
0x5f: {  	[bflag:$0x3] =	sbarrier.arrive $0xFFFF  }
0x60: {  	_ =	shalt  }

</sc_bundles>
